<compile_context>
chip_gen: v7x
topology: tpu7x:2x2x1
jax: 0.10.2.dev20260603
libtpu: 0.0.44.dev20260713+nightly
codegen_flags: <defaults>
</compile_context>

<pallas_src>
import functools

import jax
import jax.numpy as jnp
from jax import lax
from jax.experimental import pallas as pl
from jax.experimental.pallas import tpu as pltpu
from jax.experimental.pallas import tpu_sc as plsc

_NB = 20000
_PRE = 12000
_POST = 2000
_THR = 0.7
_MIN = 16.0
_IMW = 800.0
_IMH = 800.0

_B = 1024
_T = 12
_NPAD = _T * _B

_ROWW = 8
_SCRAP = 2048
_BUFR = _SCRAP + _NPAD

_HI = lax.Precision.HIGHEST


def _nms_kernel(x1_ref, y1_ref, x2_ref, y2_ref, tgt_out,
                ident_s, m_s, tri_s, area_s, krows_s, cnt_s):
    i = pl.program_id(0)

    @pl.when(i == 0)
    def _init():
        r = lax.broadcasted_iota(jnp.int32, (_B, _B), 0)
        c = lax.broadcasted_iota(jnp.int32, (_B, _B), 1)
        ident_s[:] = (r == c).astype(jnp.float32)
        tri_s[:] = (r <= c).astype(jnp.float32)
        area_s[:] = (x2_ref[:] - x1_ref[:] + 1.0) * (y2_ref[:] - y1_ref[:] + 1.0)
        cnt_s[0] = 0.0

    done = cnt_s[0] >= float(_POST)
    gpos = (lax.broadcasted_iota(jnp.int32, (1, _B), 1) + i * _B).astype(jnp.float32)

    @pl.when(jnp.logical_not(done))
    def _tile():
        def _t_col(row):
            return lax.dot_general(ident_s[:], row, (((1,), (1,)), ((), ())),
                                   preferred_element_type=jnp.float32,
                                   precision=_HI)

        cx1 = _t_col(x1_ref[pl.ds(i, 1), :])
        cy1 = _t_col(y1_ref[pl.ds(i, 1), :])
        cx2 = _t_col(x2_ref[pl.ds(i, 1), :])
        cy2 = _t_col(y2_ref[pl.ds(i, 1), :])
        carea = (cx2 - cx1 + 1.0) * (cy2 - cy1 + 1.0)
        jidx = lax.broadcasted_iota(jnp.int32, (_B, 1), 0)
        galive = ((i * _B + jidx) < _PRE).astype(jnp.float32)

        def _ovr_row(t):
            rx1 = x1_ref[pl.ds(t, 1), :]
            ry1 = y1_ref[pl.ds(t, 1), :]
            rx2 = x2_ref[pl.ds(t, 1), :]
            ry2 = y2_ref[pl.ds(t, 1), :]
            rarea = area_s[pl.ds(t, 1), :]
            w = jnp.maximum(0.0, jnp.minimum(cx2, rx2) - jnp.maximum(cx1, rx1) + 1.0)
            h = jnp.maximum(0.0, jnp.minimum(cy2, ry2) - jnp.maximum(cy1, ry1) + 1.0)
            inter = w * h
            return inter / (carea + rarea - inter)

        def _tbody(t, sup):
            flag = (_ovr_row(t) > _THR).astype(jnp.float32)
            krow = krows_s[pl.ds(t, 1), :]
            return sup + jnp.sum(flag * krow, axis=1, keepdims=True)

        sup0 = lax.fori_loop(0, i, _tbody, jnp.zeros((_B, 1), jnp.float32))
        alive = jnp.where(sup0 > 0.5, 0.0, galive)

        kidx = lax.broadcasted_iota(jnp.int32, (1, _B), 1)
        m_s[:] = ((_ovr_row(i) > _THR) & (jidx > kidx)).astype(jnp.float32)

        def _cond(c):
            return c[1]

        def _body(c):
            k, _ = c
            sup = lax.dot_general(m_s[:], k, (((1,), (0,)), ((), ())),
                                  preferred_element_type=jnp.float32,
                                  precision=_HI)
            nk = jnp.where(sup > 0.5, 0.0, alive)
            return nk, jnp.sum(jnp.abs(nk - k)) > 0.0

        keep_t, _ = lax.while_loop(_cond, _body, (alive, True))

        trow = lax.dot_general(keep_t, ident_s[:], (((0,), (0,)), ((), ())),
                               preferred_element_type=jnp.float32, precision=_HI)
        krows_s[pl.ds(i, 1), :] = trow
        prefix = lax.dot_general(trow, tri_s[:], (((1,), (0,)), ((), ())),
                                 preferred_element_type=jnp.float32,
                                 precision=_HI)
        tgt = jnp.where(trow > 0.5, cnt_s[0] + prefix - 1.0, float(_SCRAP) + gpos)
        tgt_out[pl.ds(i, 1), :] = tgt.astype(jnp.int32)
        cnt_s[0] = cnt_s[0] + jnp.sum(keep_t)

    @pl.when(done)
    def _skip():
        tgt_out[pl.ds(i, 1), :] = (float(_SCRAP) + gpos).astype(jnp.int32)


def _nms_targets(x1, y1, x2, y2):
    return pl.pallas_call(
        _nms_kernel,
        grid=(_T,),
        in_specs=[pl.BlockSpec((_T, _B), lambda i: (0, 0))] * 4,
        out_specs=pl.BlockSpec((_T, _B), lambda i: (0, 0)),
        out_shape=jax.ShapeDtypeStruct((_T, _B), jnp.int32),
        scratch_shapes=[
            pltpu.VMEM((_B, _B), jnp.float32),
            pltpu.VMEM((_B, _B), jnp.float32),
            pltpu.VMEM((_B, _B), jnp.float32),
            pltpu.VMEM((_T, _B), jnp.float32),
            pltpu.VMEM((_T, _B), jnp.float32),
            pltpu.SMEM((1,), jnp.float32),
        ],
    )(x1, y1, x2, y2)


def _sc_compact(props16, tgt):
    info = plsc.get_sparse_core_info()
    nw = info.num_cores * info.num_subcores
    per = _NPAD // nw
    mesh = plsc.VectorSubcoreMesh(core_axis_name="c", subcore_axis_name="s")

    @functools.partial(
        pl.kernel, mesh=mesh,
        compiler_params=pltpu.CompilerParams(use_tc_tiling_on_sc=False),
        out_type=jax.ShapeDtypeStruct((_BUFR, _ROWW), jnp.float32),
        scratch_types=[
            pltpu.VMEM((per,), jnp.int32),
            pltpu.VMEM((per, _ROWW), jnp.float32),
            pltpu.SemaphoreType.DMA,
        ],
    )
    def k(props_hbm, tgt_hbm, out_hbm, idx_v, rows_v, sem):
        wid = lax.axis_index("s") * info.num_cores + lax.axis_index("c")
        base = wid * per
        pltpu.sync_copy(tgt_hbm.at[pl.ds(base, per)], idx_v)
        pltpu.sync_copy(props_hbm.at[pl.ds(base, per)], rows_v)
        pltpu.async_copy(rows_v, out_hbm.at[idx_v], sem).wait()

    return k(props16, tgt)


def kernel(boxes, scores):
    x1 = jnp.clip(boxes[:, 0], 0.0, _IMW - 1.0)
    y1 = jnp.clip(boxes[:, 1], 0.0, _IMH - 1.0)
    x2 = jnp.clip(boxes[:, 2], 0.0, _IMW - 1.0)
    y2 = jnp.clip(boxes[:, 3], 0.0, _IMH - 1.0)
    ws = x2 - x1 + 1.0
    hs = y2 - y1 + 1.0
    size_ok = (ws >= _MIN) & (hs >= _MIN)
    sc = jnp.where(size_ok, scores, -jnp.inf)

    _, order = lax.sort((-sc, jnp.arange(_NB, dtype=jnp.int32)),
                        dimension=0, num_keys=1, is_stable=True)
    idx = order[:_NPAD]
    x1s = x1[idx]
    y1s = y1[idx]
    x2s = x2[idx]
    y2s = y2[idx]
    scs = sc[idx]

    tgt = _nms_targets(x1s.reshape(_T, _B), y1s.reshape(_T, _B),
                       x2s.reshape(_T, _B), y2s.reshape(_T, _B))

    props = jnp.concatenate(
        [x1s[:, None], y1s[:, None], x2s[:, None], y2s[:, None],
         scs[:, None], jnp.zeros((_NPAD, _ROWW - 5), jnp.float32)], axis=1)

    buf = _sc_compact(props, tgt.reshape(-1))

    cnt = jnp.sum((tgt.reshape(-1) < _POST).astype(jnp.int32))
    rows_ok = (jnp.arange(_POST) < cnt)[:, None]
    return jnp.where(rows_ok, buf[:_POST, :5], 0.0)

# --- scband reference (transcript-rebuilt; emitter-appended) ---
"""Pipeline reference for scband-rpn-15479062135172 (READ-ONLY COPY).

The authoritative reference and input builder live on the scoring server;
editing this copy changes nothing except your own understanding.
"""

import jax, jax.numpy as jnp
import numpy as np

N_BOXES = 20000
NMS_THRESH = 0.7
MIN_SIZE = 16.0
PRE_NMS_TOPN = 12000
POST_NMS_TOPN = 2000
IM_H = 800
IM_W = 800


def setup_inputs(seed: int = 0) -> dict:
    key = jax.random.key(seed)
    k1, k2, k3 = jax.random.split(key, 3)
    xy = jax.random.uniform(k1, (N_BOXES, 2), minval=0.0, maxval=680.0)
    wh = jax.random.uniform(k2, (N_BOXES, 2), minval=16.0, maxval=120.0)
    boxes = jnp.concatenate([xy, xy + wh], axis=1).astype(jnp.float32)
    scores = jax.random.uniform(k3, (N_BOXES,), dtype=jnp.float32)
    return {"boxes": boxes, "scores": scores}


def _nms_keep_mask(boxes, thresh):
    # Faithful translation of the numpy nms(): greedy suppression over
    # score-descending boxes (boxes are already sorted by score).
    n = boxes.shape[0]
    x1, y1, x2, y2 = boxes[:, 0], boxes[:, 1], boxes[:, 2], boxes[:, 3]
    areas = (x2 - x1 + 1.0) * (y2 - y1 + 1.0)
    idxs = jnp.arange(n)

    def body(i, keep):
        xx1 = jnp.maximum(x1[i], x1)
        yy1 = jnp.maximum(y1[i], y1)
        xx2 = jnp.minimum(x2[i], x2)
        yy2 = jnp.minimum(y2[i], y2)
        w = jnp.maximum(0.0, xx2 - xx1 + 1.0)
        h = jnp.maximum(0.0, yy2 - yy1 + 1.0)
        inter = w * h
        ovr = inter / (areas[i] + areas - inter)
        suppress = (ovr > thresh) & (idxs > i) & keep[i]
        return keep & (~suppress)

    keep = jax.lax.fori_loop(0, n, body, jnp.ones((n,), dtype=bool))
    return keep


def reference(boxes, scores):
    # == RPN.get_roi_boxes core: clip_boxes -> filter_boxes(min_size)
    # -> sort by score desc -> pre_nms_topN -> nms -> post_nms_topN ==
    b = jnp.stack([
        jnp.clip(boxes[:, 0], 0.0, IM_W - 1.0),
        jnp.clip(boxes[:, 1], 0.0, IM_H - 1.0),
        jnp.clip(boxes[:, 2], 0.0, IM_W - 1.0),
        jnp.clip(boxes[:, 3], 0.0, IM_H - 1.0),
    ], axis=1)
    ws = b[:, 2] - b[:, 0] + 1.0
    hs = b[:, 3] - b[:, 1] + 1.0
    size_ok = (ws >= MIN_SIZE) & (hs >= MIN_SIZE)
    sc = jnp.where(size_ok, scores, -jnp.inf)

    order = jnp.argsort(-sc)[:PRE_NMS_TOPN]
    props = jnp.take(b, order, axis=0)
    psc = jnp.take(sc, order, axis=0)

    keep = _nms_keep_mask(jax.lax.stop_gradient(props), NMS_THRESH)

    # compact kept boxes into fixed-size [POST_NMS_TOPN] output via scatter
    rank = jnp.cumsum(keep.astype(jnp.int32)) - 1
    valid = keep & (rank < POST_NMS_TOPN)
    idx = jnp.where(valid, rank, POST_NMS_TOPN)  # OOB rows dropped
    out_b = jnp.zeros((POST_NMS_TOPN, 4), props.dtype).at[idx].set(props, mode='drop')
    out_s = jnp.zeros((POST_NMS_TOPN,), psc.dtype).at[idx].set(psc, mode='drop')
    return jnp.concatenate([out_b, out_s[:, None]], axis=1)

if __name__ == "__main__":
    import jax
    _d = setup_inputs()
    print(jax.jit(kernel)(*tuple(_d.values())))

</pallas_src>

<mosaic_0001>
#map = affine_map<(d0, d1) -> (0, 0)>
#map1 = affine_map<(d0, d1) -> (0)>
module attributes {stable_mosaic.version = 14 : i64} {
  func.func @k(%arg0: i32, %arg1: i32, %arg2: memref<12288x8xf32, #tpu.memory_space<hbm>>, %arg3: memref<12288xi32, #tpu.memory_space<hbm>>, %arg4: memref<14336x8xf32, #tpu.memory_space<hbm>>, %arg5: memref<384xi32, #tpu.memory_space<vmem>>, %arg6: memref<384x8xf32, #tpu.memory_space<vmem>>, %arg7: memref<!tpu.dma_semaphore, #tpu.memory_space<semaphore_mem>>) attributes {dimension_semantics = [#tpu.dimension_semantics<core_parallel>, #tpu.dimension_semantics<subcore_parallel>], iteration_bounds = array<i64: 2, 16>, scalar_prefetch = 0 : i64, scratch_operands = 3 : i64, tpu.core_type = #tpu.core_type<sc_vector_subcore>, window_params = [{transform_indices = #map}, {transform_indices = #map1}, {transform_indices = #map}]} {
    %mul3A = arith.constant 2 : i32
    %mul3A_0 = arith.muli %arg1, %mul3A : i32
    %add3A = arith.addi %mul3A_0, %arg0 : i32
    %mul3A_1 = arith.constant 384 : i32
    %mul3A_2 = arith.muli %add3A, %mul3A_1 : i32
    "tpu.region"() ({
      %run_scoped3A = tpu.sem_alloc : memref<!tpu.dma_semaphore, #tpu.memory_space<semaphore_mem>>
      %dma_start3A_7 = tpu.memref_slice %arg3[%mul3A_2] : memref<12288xi32, #tpu.memory_space<hbm>> -> memref<384xi32, #tpu.memory_space<hbm>>
      %dma_start3A_8 = tpu.memref_slice %arg3[%mul3A_2] : memref<12288xi32, #tpu.memory_space<hbm>> -> memref<384xi32, #tpu.memory_space<hbm>>
      tpu.enqueue_dma source(%dma_start3A_8 : memref<384xi32, #tpu.memory_space<hbm>>) target(%arg5 : memref<384xi32, #tpu.memory_space<vmem>>) target_semaphore(%run_scoped3A : memref<!tpu.dma_semaphore, #tpu.memory_space<semaphore_mem>>)
      %dma_wait3A_9 = tpu.memref_slice %arg3[%mul3A_2] : memref<12288xi32, #tpu.memory_space<hbm>> -> memref<384xi32, #tpu.memory_space<hbm>>
      %dma_wait3A_10 = tpu.memref_slice %arg3[%mul3A_2] : memref<12288xi32, #tpu.memory_space<hbm>> -> memref<384xi32, #tpu.memory_space<hbm>>
      tpu.wait_dma2 semaphore(%run_scoped3A : memref<!tpu.dma_semaphore, #tpu.memory_space<semaphore_mem>>) src(%dma_wait3A_10 : memref<384xi32, #tpu.memory_space<hbm>>) dst(%arg5 : memref<384xi32, #tpu.memory_space<vmem>>)
      tpu.yield
    }) : () -> ()
    "tpu.region"() ({
      %run_scoped3A = tpu.sem_alloc : memref<!tpu.dma_semaphore, #tpu.memory_space<semaphore_mem>>
      %dma_start3A_7 = arith.constant 0 : i32
      %dma_start3A_8 = tpu.memref_slice %arg2[%mul3A_2, %dma_start3A_7] : memref<12288x8xf32, #tpu.memory_space<hbm>> -> memref<384x8xf32, #tpu.memory_space<hbm>>
      %dma_start3A_9 = arith.constant 0 : i32
      %dma_start3A_10 = tpu.memref_slice %arg2[%mul3A_2, %dma_start3A_9] : memref<12288x8xf32, #tpu.memory_space<hbm>> -> memref<384x8xf32, #tpu.memory_space<hbm>>
      tpu.enqueue_dma source(%dma_start3A_10 : memref<384x8xf32, #tpu.memory_space<hbm>>) target(%arg6 : memref<384x8xf32, #tpu.memory_space<vmem>>) target_semaphore(%run_scoped3A : memref<!tpu.dma_semaphore, #tpu.memory_space<semaphore_mem>>)
      %dma_wait3A_11 = arith.constant 0 : i32
      %dma_wait3A_12 = tpu.memref_slice %arg2[%mul3A_2, %dma_wait3A_11] : memref<12288x8xf32, #tpu.memory_space<hbm>> -> memref<384x8xf32, #tpu.memory_space<hbm>>
      %dma_wait3A_13 = arith.constant 0 : i32
      %dma_wait3A_14 = tpu.memref_slice %arg2[%mul3A_2, %dma_wait3A_13] : memref<12288x8xf32, #tpu.memory_space<hbm>> -> memref<384x8xf32, #tpu.memory_space<hbm>>
      tpu.wait_dma2 semaphore(%run_scoped3A : memref<!tpu.dma_semaphore, #tpu.memory_space<semaphore_mem>>) src(%dma_wait3A_14 : memref<384x8xf32, #tpu.memory_space<hbm>>) dst(%arg6 : memref<384x8xf32, #tpu.memory_space<vmem>>)
      tpu.yield
    }) : () -> ()
    %dma_start3A = arith.constant 0 : i32
    %dma_start3A_3 = arith.constant 0 : i32
    %dma_start3A_4 = tpu.memref_slice %arg4[%dma_start3A, %dma_start3A_3] : memref<14336x8xf32, #tpu.memory_space<hbm>> -> memref<14336x8xf32, #tpu.memory_space<hbm>>
    tpu.enqueue_indirect_dma source(%arg6 : memref<384x8xf32, #tpu.memory_space<vmem>>) target(%dma_start3A_4 : memref<14336x8xf32, #tpu.memory_space<hbm>>) offsets(%arg5 : memref<384xi32, #tpu.memory_space<vmem>>) semaphore(%arg7 : memref<!tpu.dma_semaphore, #tpu.memory_space<semaphore_mem>>)
    %dma_wait3A = arith.constant 0 : i32
    %dma_wait3A_5 = arith.constant 0 : i32
    %dma_wait3A_6 = tpu.memref_slice %arg4[%dma_wait3A, %dma_wait3A_5] : memref<14336x8xf32, #tpu.memory_space<hbm>> -> memref<14336x8xf32, #tpu.memory_space<hbm>>
    tpu.wait_indirect_dma semaphore(%arg7 : memref<!tpu.dma_semaphore, #tpu.memory_space<semaphore_mem>>) src(%arg6 : memref<384x8xf32, #tpu.memory_space<vmem>>) dst(%dma_wait3A_6 : memref<14336x8xf32, #tpu.memory_space<hbm>>)
    return
  }
}

module attributes {stable_mosaic.version = 14 : i64} {
  func.func @_nms_kernel(%arg0: i32, %arg1: memref<12x1024xf32, #tpu.memory_space<vmem>>, %arg2: memref<12x1024xf32, #tpu.memory_space<vmem>>, %arg3: memref<12x1024xf32, #tpu.memory_space<vmem>>, %arg4: memref<12x1024xf32, #tpu.memory_space<vmem>>, %arg5: memref<12x1024xi32, #tpu.memory_space<vmem>>, %arg6: memref<1024x1024xf32, #tpu.memory_space<vmem>>, %arg7: memref<1024x1024xf32, #tpu.memory_space<vmem>>, %arg8: memref<1024x1024xf32, #tpu.memory_space<vmem>>, %arg9: memref<12x1024xf32, #tpu.memory_space<vmem>>, %arg10: memref<12x1024xf32, #tpu.memory_space<vmem>>, %arg11: memref<1xf32, #tpu.memory_space<smem>>) attributes {dimension_semantics = [#tpu.dimension_semantics<arbitrary>], iteration_bounds = array<i64: 12>, scalar_prefetch = 0 : i64, scratch_operands = 6 : i64, tpu.core_type = #tpu.core_type<tc>, window_params = [{pipeline_mode = #tpu.pipeline_mode<synchronous>, transform_indices = @transform_0, window_bounds = array<i64: 12, 1024>}, {pipeline_mode = #tpu.pipeline_mode<synchronous>, transform_indices = @transform_1, window_bounds = array<i64: 12, 1024>}, {pipeline_mode = #tpu.pipeline_mode<synchronous>, transform_indices = @transform_2, window_bounds = array<i64: 12, 1024>}, {pipeline_mode = #tpu.pipeline_mode<synchronous>, transform_indices = @transform_3, window_bounds = array<i64: 12, 1024>}, {pipeline_mode = #tpu.pipeline_mode<synchronous>, transform_indices = @transform_4, window_bounds = array<i64: 12, 1024>}]} {
    %eq3A = arith.constant 0 : i32
    %eq3A_0 = arith.cmpi eq, %arg0, %eq3A : i32
    %convert_element_type3A = arith.extui %eq3A_0 : i1 to i32
    %cond3A = arith.constant 0 : i32
    %cond3A_1 = arith.cmpi ne, %convert_element_type3A, %cond3A : i32
    scf.if %cond3A_1 {
      %iota3A_14 = tpu.iota {dimensions = array<i32: 0>} : vector<1024x1024xi32>
      %iota3A_15 = tpu.iota {dimensions = array<i32: 1>} : vector<1024x1024xi32>
      %eq3A_16 = arith.cmpi eq, %iota3A_14, %iota3A_15 : vector<1024x1024xi32>
      %convert_element_type3A_17 = arith.extui %eq3A_16 : vector<1024x1024xi1> to vector<1024x1024xi32>
      %convert_element_type3A_18 = arith.sitofp %convert_element_type3A_17 : vector<1024x1024xi32> to vector<1024x1024xf32>
      %swap3A = arith.constant 0 : index
      %swap3A_19 = arith.constant 0 : index
      %swap3A_20 = vector.load %arg6[%swap3A, %swap3A_19] : memref<1024x1024xf32, #tpu.memory_space<vmem>>, vector<1024x1024xf32>
      tpu.vector_store %arg6[%swap3A, %swap3A_19], %convert_element_type3A_18 {strides = array<i32>} : memref<1024x1024xf32, #tpu.memory_space<vmem>>, vector<1024x1024xf32>,
      %le3A = arith.cmpi sle, %iota3A_14, %iota3A_15 : vector<1024x1024xi32>
      %convert_element_type3A_21 = arith.extui %le3A : vector<1024x1024xi1> to vector<1024x1024xi32>
      %convert_element_type3A_22 = arith.sitofp %convert_element_type3A_21 : vector<1024x1024xi32> to vector<1024x1024xf32>
      %swap3A_23 = arith.constant 0 : index
      %swap3A_24 = arith.constant 0 : index
      %swap3A_25 = vector.load %arg8[%swap3A_23, %swap3A_24] : memref<1024x1024xf32, #tpu.memory_space<vmem>>, vector<1024x1024xf32>
      tpu.vector_store %arg8[%swap3A_23, %swap3A_24], %convert_element_type3A_22 {strides = array<i32>} : memref<1024x1024xf32, #tpu.memory_space<vmem>>, vector<1024x1024xf32>,
      %get3A_26 = arith.constant 0 : index
      %get3A_27 = arith.constant 0 : index
      %get3A_28 = vector.load %arg3[%get3A_26, %get3A_27] : memref<12x1024xf32, #tpu.memory_space<vmem>>, vector<12x1024xf32>
      %get3A_29 = arith.constant 0 : index
      %get3A_30 = arith.constant 0 : index
      %get3A_31 = vector.load %arg1[%get3A_29, %get3A_30] : memref<12x1024xf32, #tpu.memory_space<vmem>>, vector<12x1024xf32>
      %sub3A = arith.subf %get3A_28, %get3A_31 : vector<12x1024xf32>
      %add3A_32 = arith.constant 1.000000e+00 : f32
      %add3A_33 = vector.broadcast %add3A_32 : f32 to vector<12x1024xf32>
      %add3A_34 = arith.addf %sub3A, %add3A_33 : vector<12x1024xf32>
      %get3A_35 = arith.constant 0 : index
      %get3A_36 = arith.constant 0 : index
      %get3A_37 = vector.load %arg4[%get3A_35, %get3A_36] : memref<12x1024xf32, #tpu.memory_space<vmem>>, vector<12x1024xf32>
      %get3A_38 = arith.constant 0 : index
      %get3A_39 = arith.constant 0 : index
      %get3A_40 = vector.load %arg2[%get3A_38, %get3A_39] : memref<12x1024xf32, #tpu.memory_space<vmem>>, vector<12x1024xf32>
      %sub3A_41 = arith.subf %get3A_37, %get3A_40 : vector<12x1024xf32>
      %add3A_42 = arith.constant 1.000000e+00 : f32
      %add3A_43 = vector.broadcast %add3A_42 : f32 to vector<12x1024xf32>
      %add3A_44 = arith.addf %sub3A_41, %add3A_43 : vector<12x1024xf32>
      %mul3A_45 = arith.mulf %add3A_34, %add3A_44 : vector<12x1024xf32>
      %swap3A_46 = arith.constant 0 : index
      %swap3A_47 = arith.constant 0 : index
      %swap3A_48 = vector.load %arg9[%swap3A_46, %swap3A_47] : memref<12x1024xf32, #tpu.memory_space<vmem>>, vector<12x1024xf32>
      tpu.vector_store %arg9[%swap3A_46, %swap3A_47], %mul3A_45 {strides = array<i32>} : memref<12x1024xf32, #tpu.memory_space<vmem>>, vector<12x1024xf32>,
      %swap3A_49 = arith.constant 0.000000e+00 : f32
      %swap3A_50 = arith.constant 0 : index
      %swap3A_51 = memref.load %arg11[%swap3A_50] : memref<1xf32, #tpu.memory_space<smem>>
      memref.store %swap3A_49, %arg11[%swap3A_50] : memref<1xf32, #tpu.memory_space<smem>>
    } else {
    }
    %get3A = arith.constant 0 : index
    %get3A_2 = memref.load %arg11[%get3A] : memref<1xf32, #tpu.memory_space<smem>>
    %ge3A = arith.constant 2.000000e+03 : f32
    %ge3A_3 = arith.cmpf oge, %get3A_2, %ge3A : f32
    %iota3A = tpu.iota {dimensions = array<i32: 1>} : vector<1x1024xi32>
    %mul3A = arith.constant 1024 : i32
    %mul3A_4 = arith.muli %arg0, %mul3A : i32
    %add3A = vector.broadcast %mul3A_4 : i32 to vector<1x1024xi32>
    %add3A_5 = arith.addi %iota3A, %add3A : vector<1x1024xi32>
    %convert_element_type3A_6 = arith.sitofp %add3A_5 : vector<1x1024xi32> to vector<1x1024xf32>
    %not3A = arith.constant true
    %not3A_7 = arith.xori %ge3A_3, %not3A : i1
    %convert_element_type3A_8 = arith.extui %not3A_7 : i1 to i32
    %cond3A_9 = arith.constant 0 : i32
    %cond3A_10 = arith.cmpi ne, %convert_element_type3A_8, %cond3A_9 : i32
    scf.if %cond3A_10 {
      %get3A_14 = arith.index_cast %arg0 : i32 to index
      %get3A_15 = arith.constant 0 : index
      %get3A_16 = vector.load %arg1[%get3A_14, %get3A_15] : memref<12x1024xf32, #tpu.memory_space<vmem>>, vector<1x1024xf32>
      %get3A_17 = arith.constant 0 : index
      %get3A_18 = arith.constant 0 : index
      %get3A_19 = vector.load %arg6[%get3A_17, %get3A_18] : memref<1024x1024xf32, #tpu.memory_space<vmem>>, vector<1024x1024xf32>
      %dot_general3A = arith.constant dense<0.000000e+00> : vector<1024x1xf32>
      %dot_general3A_20 = tpu.matmul %get3A_19, %get3A_16, %dot_general3A {dimension_numbers = #tpu.dot_dimension_numbers<[1], [1], [0], [0], [0, 0, 1, 0], [], []>, precision = #tpu.contract_precision<fp32>, transpose_lhs_hint = false} : vector<1024x1024xf32>, vector<1x1024xf32>, vector<1024x1xf32> -> vector<1024x1xf32>
      %get3A_21 = arith.index_cast %arg0 : i32 to index
      %get3A_22 = arith.constant 0 : index
      %get3A_23 = vector.load %arg2[%get3A_21, %get3A_22] : memref<12x1024xf32, #tpu.memory_space<vmem>>, vector<1x1024xf32>
      %get3A_24 = arith.constant 0 : index
      %get3A_25 = arith.constant 0 : index
      %get3A_26 = vector.load %arg6[%get3A_24, %get3A_25] : memref<1024x1024xf32, #tpu.memory_space<vmem>>, vector<1024x1024xf32>
      %dot_general3A_27 = arith.constant dense<0.000000e+00> : vector<1024x1xf32>
      %dot_general3A_28 = tpu.matmul %get3A_26, %get3A_23, %dot_general3A_27 {dimension_numbers = #tpu.dot_dimension_numbers<[1], [1], [0], [0], [0, 0, 1, 0], [], []>, precision = #tpu.contract_precision<fp32>, transpose_lhs_hint = false} : vector<1024x1024xf32>, vector<1x1024xf32>, vector<1024x1xf32> -> vector<1024x1xf32>
      %get3A_29 = arith.index_cast %arg0 : i32 to index
      %get3A_30 = arith.constant 0 : index
      %get3A_31 = vector.load %arg3[%get3A_29, %get3A_30] : memref<12x1024xf32, #tpu.memory_space<vmem>>, vector<1x1024xf32>
      %get3A_32 = arith.constant 0 : index
      %get3A_33 = arith.constant 0 : index
      %get3A_34 = vector.load %arg6[%get3A_32, %get3A_33] : memref<1024x1024xf32, #tpu.memory_space<vmem>>, vector<1024x1024xf32>
      %dot_general3A_35 = arith.constant dense<0.000000e+00> : vector<1024x1xf32>
      %dot_general3A_36 = tpu.matmul %get3A_34, %get3A_31, %dot_general3A_35 {dimension_numbers = #tpu.dot_dimension_numbers<[1], [1], [0], [0], [0, 0, 1, 0], [], []>, precision = #tpu.contract_precision<fp32>, transpose_lhs_hint = false} : vector<1024x1024xf32>, vector<1x1024xf32>, vector<1024x1xf32> -> vector<1024x1xf32>
      %get3A_37 = arith.index_cast %arg0 : i32 to index
      %get3A_38 = arith.constant 0 : index
      %get3A_39 = vector.load %arg4[%get3A_37, %get3A_38] : memref<12x1024xf32, #tpu.memory_space<vmem>>, vector<1x1024xf32>
      %get3A_40 = arith.constant 0 : index
      %get3A_41 = arith.constant 0 : index
      %get3A_42 = vector.load %arg6[%get3A_40, %get3A_41] : memref<1024x1024xf32, #tpu.memory_space<vmem>>, vector<1024x1024xf32>
      %dot_general3A_43 = arith.constant dense<0.000000e+00> : vector<1024x1xf32>
      %dot_general3A_44 = tpu.matmul %get3A_42, %get3A_39, %dot_general3A_43 {dimension_numbers = #tpu.dot_dimension_numbers<[1], [1], [0], [0], [0, 0, 1, 0], [], []>, precision = #tpu.contract_precision<fp32>, transpose_lhs_hint = false} : vector<1024x1024xf32>, vector<1x1024xf32>, vector<1024x1xf32> -> vector<1024x1xf32>
      %sub3A = arith.subf %dot_general3A_36, %dot_general3A_20 : vector<1024x1xf32>
      %add3A_45 = arith.constant 1.000000e+00 : f32
      %add3A_46 = vector.broadcast %add3A_45 : f32 to vector<1024x1xf32>
      %add3A_47 = arith.addf %sub3A, %add3A_46 : vector<1024x1xf32>
      %sub3A_48 = arith.subf %dot_general3A_44, %dot_general3A_28 : vector<1024x1xf32>
      %add3A_49 = arith.constant 1.000000e+00 : f32
      %add3A_50 = vector.broadcast %add3A_49 : f32 to vector<1024x1xf32>
      %add3A_51 = arith.addf %sub3A_48, %add3A_50 : vector<1024x1xf32>
      %mul3A_52 = arith.mulf %add3A_47, %add3A_51 : vector<1024x1xf32>
      %iota3A_53 = tpu.iota {dimensions = array<i32: 0>} : vector<1024x1xi32>
      %mul3A_54 = arith.constant 1024 : i32
      %mul3A_55 = arith.muli %arg0, %mul3A_54 : i32
      %add3A_56 = vector.broadcast %mul3A_55 : i32 to vector<1024x1xi32>
      %add3A_57 = arith.addi %add3A_56, %iota3A_53 : vector<1024x1xi32>
      %lt3A = arith.constant 12000 : i32
      %lt3A_58 = vector.broadcast %lt3A : i32 to vector<1024x1xi32>
      %lt3A_59 = arith.cmpi slt, %add3A_57, %lt3A_58 : vector<1024x1xi32>
      %convert_element_type3A_60 = arith.extui %lt3A_59 : vector<1024x1xi1> to vector<1024x1xi32>
      %convert_element_type3A_61 = arith.sitofp %convert_element_type3A_60 : vector<1024x1xi32> to vector<1024x1xf32>
      %broadcast_in_dim3A = arith.constant 0.000000e+00 : f32
      %broadcast_in_dim3A_62 = vector.broadcast %broadcast_in_dim3A : f32 to vector<1024x1xf32>
      %while3A = arith.constant 0 : i32
      %while3A_63 = arith.subi %arg0, %while3A : i32
      %while3A_64 = arith.addi %while3A, %while3A_63 : i32
      %while3A_65 = arith.constant 1 : i32
      %while3A_66 = arith.divsi %while3A_63, %while3A_65 : i32
      %while3A_67 = arith.muli %while3A_66, %while3A_65 : i32
      %while3A_68 = arith.addi %while3A, %while3A_67 : i32
      %while3A_69 = arith.constant 1 : i32
      %while3A_70 = scf.for %while3A_173 = %while3A to %while3A_68 step %while3A_69 iter_args(%while3A_174 = %broadcast_in_dim3A_62) -> (vector<1024x1xf32>)  : i32 {
        %get3A_175 = arith.index_cast %while3A_173 : i32 to index
        %get3A_176 = arith.constant 0 : index
        %get3A_177 = vector.load %arg1[%get3A_175, %get3A_176] : memref<12x1024xf32, #tpu.memory_space<vmem>>, vector<1x1024xf32>
        %get3A_178 = arith.index_cast %while3A_173 : i32 to index
        %get3A_179 = arith.constant 0 : index
        %get3A_180 = vector.load %arg2[%get3A_178, %get3A_179] : memref<12x1024xf32, #tpu.memory_space<vmem>>, vector<1x1024xf32>
        %get3A_181 = arith.index_cast %while3A_173 : i32 to index
        %get3A_182 = arith.constant 0 : index
        %get3A_183 = vector.load %arg3[%get3A_181, %get3A_182] : memref<12x1024xf32, #tpu.memory_space<vmem>>, vector<1x1024xf32>
        %get3A_184 = arith.index_cast %while3A_173 : i32 to index
        %get3A_185 = arith.constant 0 : index
        %get3A_186 = vector.load %arg4[%get3A_184, %get3A_185] : memref<12x1024xf32, #tpu.memory_space<vmem>>, vector<1x1024xf32>
        %get3A_187 = arith.index_cast %while3A_173 : i32 to index
        %get3A_188 = arith.constant 0 : index
        %get3A_189 = vector.load %arg9[%get3A_187, %get3A_188] : memref<12x1024xf32, #tpu.memory_space<vmem>>, vector<1x1024xf32>
        %min3A_190 = vector.broadcast %dot_general3A_36 : vector<1024x1xf32> to vector<1024x1024xf32>
        %min3A_191 = vector.broadcast %get3A_183 : vector<1x1024xf32> to vector<1024x1024xf32>
        %min3A_192 = arith.minimumf %min3A_190, %min3A_191 : vector<1024x1024xf32>
        %max3A_193 = vector.broadcast %dot_general3A_20 : vector<1024x1xf32> to vector<1024x1024xf32>
        %max3A_194 = vector.broadcast %get3A_177 : vector<1x1024xf32> to vector<1024x1024xf32>
        %max3A_195 = arith.maximumf %max3A_193, %max3A_194 : vector<1024x1024xf32>
        %sub3A_196 = arith.subf %min3A_192, %max3A_195 : vector<1024x1024xf32>
        %add3A_197 = arith.constant 1.000000e+00 : f32
        %add3A_198 = vector.broadcast %add3A_197 : f32 to vector<1024x1024xf32>
        %add3A_199 = arith.addf %sub3A_196, %add3A_198 : vector<1024x1024xf32>
        %max3A_200 = arith.constant 0.000000e+00 : f32
        %max3A_201 = vector.broadcast %max3A_200 : f32 to vector<1024x1024xf32>
        %max3A_202 = arith.maximumf %max3A_201, %add3A_199 : vector<1024x1024xf32>
        %min3A_203 = vector.broadcast %dot_general3A_44 : vector<1024x1xf32> to vector<1024x1024xf32>
        %min3A_204 = vector.broadcast %get3A_186 : vector<1x1024xf32> to vector<1024x1024xf32>
        %min3A_205 = arith.minimumf %min3A_203, %min3A_204 : vector<1024x1024xf32>
        %max3A_206 = vector.broadcast %dot_general3A_28 : vector<1024x1xf32> to vector<1024x1024xf32>
        %max3A_207 = vector.broadcast %get3A_180 : vector<1x1024xf32> to vector<1024x1024xf32>
        %max3A_208 = arith.maximumf %max3A_206, %max3A_207 : vector<1024x1024xf32>
        %sub3A_209 = arith.subf %min3A_205, %max3A_208 : vector<1024x1024xf32>
        %add3A_210 = arith.constant 1.000000e+00 : f32
        %add3A_211 = vector.broadcast %add3A_210 : f32 to vector<1024x1024xf32>
        %add3A_212 = arith.addf %sub3A_209, %add3A_211 : vector<1024x1024xf32>
        %max3A_213 = arith.constant 0.000000e+00 : f32
        %max3A_214 = vector.broadcast %max3A_213 : f32 to vector<1024x1024xf32>
        %max3A_215 = arith.maximumf %max3A_214, %add3A_212 : vector<1024x1024xf32>
        %mul3A_216 = arith.mulf %max3A_202, %max3A_215 : vector<1024x1024xf32>
        %add3A_217 = vector.broadcast %mul3A_52 : vector<1024x1xf32> to vector<1024x1024xf32>
        %add3A_218 = vector.broadcast %get3A_189 : vector<1x1024xf32> to vector<1024x1024xf32>
        %add3A_219 = arith.addf %add3A_217, %add3A_218 : vector<1024x1024xf32>
        %sub3A_220 = arith.subf %add3A_219, %mul3A_216 : vector<1024x1024xf32>
        %div3A_221 = arith.divf %mul3A_216, %sub3A_220 : vector<1024x1024xf32>
        %gt3A_222 = arith.constant 0.699999988 : f32
        %gt3A_223 = vector.broadcast %gt3A_222 : f32 to vector<1024x1024xf32>
        %gt3A_224 = arith.cmpf ogt, %div3A_221, %gt3A_223 : vector<1024x1024xf32>
        %convert_element_type3A_225 = arith.extui %gt3A_224 : vector<1024x1024xi1> to vector<1024x1024xi32>
        %convert_element_type3A_226 = arith.sitofp %convert_element_type3A_225 : vector<1024x1024xi32> to vector<1024x1024xf32>
        %get3A_227 = arith.index_cast %while3A_173 : i32 to index
        %get3A_228 = arith.constant 0 : index
        %get3A_229 = vector.load %arg10[%get3A_227, %get3A_228] : memref<12x1024xf32, #tpu.memory_space<vmem>>, vector<1x1024xf32>
        %mul3A_230 = vector.broadcast %get3A_229 : vector<1x1024xf32> to vector<1024x1024xf32>
        %mul3A_231 = arith.mulf %convert_element_type3A_226, %mul3A_230 : vector<1024x1024xf32>
        %reduce_sum3A_232 = arith.constant dense<0.000000e+00> : vector<1024xf32>
        %reduce_sum3A_233 = vector.multi_reduction <add>, %mul3A_231, %reduce_sum3A_232 [1] : vector<1024x1024xf32> to vector<1024xf32>
        %broadcast_in_dim3A_234 = vector.shape_cast %reduce_sum3A_233 : vector<1024xf32> to vector<1024x1xf32>
        %add3A_235 = arith.addf %while3A_174, %broadcast_in_dim3A_234 : vector<1024x1xf32>
        scf.yield %add3A_235 : vector<1024x1xf32>
      }
      %while3A_71 = arith.constant 1 : i32
      %while3A_72 = scf.for %while3A_173 = %while3A_68 to %while3A_64 step %while3A_71 iter_args(%while3A_174 = %while3A_70) -> (vector<1024x1xf32>)  : i32 {
        %get3A_175 = arith.index_cast %while3A_173 : i32 to index
        %get3A_176 = arith.constant 0 : index
        %get3A_177 = vector.load %arg1[%get3A_175, %get3A_176] : memref<12x1024xf32, #tpu.memory_space<vmem>>, vector<1x1024xf32>
        %get3A_178 = arith.index_cast %while3A_173 : i32 to index
        %get3A_179 = arith.constant 0 : index
        %get3A_180 = vector.load %arg2[%get3A_178, %get3A_179] : memref<12x1024xf32, #tpu.memory_space<vmem>>, vector<1x1024xf32>
        %get3A_181 = arith.index_cast %while3A_173 : i32 to index
        %get3A_182 = arith.constant 0 : index
        %get3A_183 = vector.load %arg3[%get3A_181, %get3A_182] : memref<12x1024xf32, #tpu.memory_space<vmem>>, vector<1x1024xf32>
        %get3A_184 = arith.index_cast %while3A_173 : i32 to index
        %get3A_185 = arith.constant 0 : index
        %get3A_186 = vector.load %arg4[%get3A_184, %get3A_185] : memref<12x1024xf32, #tpu.memory_space<vmem>>, vector<1x1024xf32>
        %get3A_187 = arith.index_cast %while3A_173 : i32 to index
        %get3A_188 = arith.constant 0 : index
        %get3A_189 = vector.load %arg9[%get3A_187, %get3A_188] : memref<12x1024xf32, #tpu.memory_space<vmem>>, vector<1x1024xf32>
        %min3A_190 = vector.broadcast %dot_general3A_36 : vector<1024x1xf32> to vector<1024x1024xf32>
        %min3A_191 = vector.broadcast %get3A_183 : vector<1x1024xf32> to vector<1024x1024xf32>
        %min3A_192 = arith.minimumf %min3A_190, %min3A_191 : vector<1024x1024xf32>
        %max3A_193 = vector.broadcast %dot_general3A_20 : vector<1024x1xf32> to vector<1024x1024xf32>
        %max3A_194 = vector.broadcast %get3A_177 : vector<1x1024xf32> to vector<1024x1024xf32>
        %max3A_195 = arith.maximumf %max3A_193, %max3A_194 : vector<1024x1024xf32>
        %sub3A_196 = arith.subf %min3A_192, %max3A_195 : vector<1024x1024xf32>
        %add3A_197 = arith.constant 1.000000e+00 : f32
        %add3A_198 = vector.broadcast %add3A_197 : f32 to vector<1024x1024xf32>
        %add3A_199 = arith.addf %sub3A_196, %add3A_198 : vector<1024x1024xf32>
        %max3A_200 = arith.constant 0.000000e+00 : f32
        %max3A_201 = vector.broadcast %max3A_200 : f32 to vector<1024x1024xf32>
        %max3A_202 = arith.maximumf %max3A_201, %add3A_199 : vector<1024x1024xf32>
        %min3A_203 = vector.broadcast %dot_general3A_44 : vector<1024x1xf32> to vector<1024x1024xf32>
        %min3A_204 = vector.broadcast %get3A_186 : vector<1x1024xf32> to vector<1024x1024xf32>
        %min3A_205 = arith.minimumf %min3A_203, %min3A_204 : vector<1024x1024xf32>
        %max3A_206 = vector.broadcast %dot_general3A_28 : vector<1024x1xf32> to vector<1024x1024xf32>
        %max3A_207 = vector.broadcast %get3A_180 : vector<1x1024xf32> to vector<1024x1024xf32>
        %max3A_208 = arith.maximumf %max3A_206, %max3A_207 : vector<1024x1024xf32>
        %sub3A_209 = arith.subf %min3A_205, %max3A_208 : vector<1024x1024xf32>
        %add3A_210 = arith.constant 1.000000e+00 : f32
        %add3A_211 = vector.broadcast %add3A_210 : f32 to vector<1024x1024xf32>
        %add3A_212 = arith.addf %sub3A_209, %add3A_211 : vector<1024x1024xf32>
        %max3A_213 = arith.constant 0.000000e+00 : f32
        %max3A_214 = vector.broadcast %max3A_213 : f32 to vector<1024x1024xf32>
        %max3A_215 = arith.maximumf %max3A_214, %add3A_212 : vector<1024x1024xf32>
        %mul3A_216 = arith.mulf %max3A_202, %max3A_215 : vector<1024x1024xf32>
        %add3A_217 = vector.broadcast %mul3A_52 : vector<1024x1xf32> to vector<1024x1024xf32>
        %add3A_218 = vector.broadcast %get3A_189 : vector<1x1024xf32> to vector<1024x1024xf32>
        %add3A_219 = arith.addf %add3A_217, %add3A_218 : vector<1024x1024xf32>
        %sub3A_220 = arith.subf %add3A_219, %mul3A_216 : vector<1024x1024xf32>
        %div3A_221 = arith.divf %mul3A_216, %sub3A_220 : vector<1024x1024xf32>
        %gt3A_222 = arith.constant 0.699999988 : f32
        %gt3A_223 = vector.broadcast %gt3A_222 : f32 to vector<1024x1024xf32>
        %gt3A_224 = arith.cmpf ogt, %div3A_221, %gt3A_223 : vector<1024x1024xf32>
        %convert_element_type3A_225 = arith.extui %gt3A_224 : vector<1024x1024xi1> to vector<1024x1024xi32>
        %convert_element_type3A_226 = arith.sitofp %convert_element_type3A_225 : vector<1024x1024xi32> to vector<1024x1024xf32>
        %get3A_227 = arith.index_cast %while3A_173 : i32 to index
        %get3A_228 = arith.constant 0 : index
        %get3A_229 = vector.load %arg10[%get3A_227, %get3A_228] : memref<12x1024xf32, #tpu.memory_space<vmem>>, vector<1x1024xf32>
        %mul3A_230 = vector.broadcast %get3A_229 : vector<1x1024xf32> to vector<1024x1024xf32>
        %mul3A_231 = arith.mulf %convert_element_type3A_226, %mul3A_230 : vector<1024x1024xf32>
        %reduce_sum3A_232 = arith.constant dense<0.000000e+00> : vector<1024xf32>
        %reduce_sum3A_233 = vector.multi_reduction <add>, %mul3A_231, %reduce_sum3A_232 [1] : vector<1024x1024xf32> to vector<1024xf32>
        %broadcast_in_dim3A_234 = vector.shape_cast %reduce_sum3A_233 : vector<1024xf32> to vector<1024x1xf32>
        %add3A_235 = arith.addf %while3A_174, %broadcast_in_dim3A_234 : vector<1024x1xf32>
        scf.yield %add3A_235 : vector<1024x1xf32>
      }
      %gt3A = arith.constant 5.000000e-01 : f32
      %gt3A_73 = vector.broadcast %gt3A : f32 to vector<1024x1xf32>
      %gt3A_74 = arith.cmpf ogt, %while3A_72, %gt3A_73 : vector<1024x1xf32>
      %jit3A = arith.constant 0.000000e+00 : f32
      %broadcast_in_dim3A_75 = vector.broadcast %jit3A : f32 to vector<1024x1xf32>
      %select_n3A = arith.select %gt3A_74, %broadcast_in_dim3A_75, %convert_element_type3A_61 : vector<1024x1xi1>, vector<1024x1xf32>
      %iota3A_76 = tpu.iota {dimensions = array<i32: 1>} : vector<1x1024xi32>
      %get3A_77 = arith.index_cast %arg0 : i32 to index
      %get3A_78 = arith.constant 0 : index
      %get3A_79 = vector.load %arg1[%get3A_77, %get3A_78] : memref<12x1024xf32, #tpu.memory_space<vmem>>, vector<1x1024xf32>
      %get3A_80 = arith.index_cast %arg0 : i32 to index
      %get3A_81 = arith.constant 0 : index
      %get3A_82 = vector.load %arg2[%get3A_80, %get3A_81] : memref<12x1024xf32, #tpu.memory_space<vmem>>, vector<1x1024xf32>
      %get3A_83 = arith.index_cast %arg0 : i32 to index
      %get3A_84 = arith.constant 0 : index
      %get3A_85 = vector.load %arg3[%get3A_83, %get3A_84] : memref<12x1024xf32, #tpu.memory_space<vmem>>, vector<1x1024xf32>
      %get3A_86 = arith.index_cast %arg0 : i32 to index
      %get3A_87 = arith.constant 0 : index
      %get3A_88 = vector.load %arg4[%get3A_86, %get3A_87] : memref<12x1024xf32, #tpu.memory_space<vmem>>, vector<1x1024xf32>
      %get3A_89 = arith.index_cast %arg0 : i32 to index
      %get3A_90 = arith.constant 0 : index
      %get3A_91 = vector.load %arg9[%get3A_89, %get3A_90] : memref<12x1024xf32, #tpu.memory_space<vmem>>, vector<1x1024xf32>
      %min3A = vector.broadcast %dot_general3A_36 : vector<1024x1xf32> to vector<1024x1024xf32>
      %min3A_92 = vector.broadcast %get3A_85 : vector<1x1024xf32> to vector<1024x1024xf32>
      %min3A_93 = arith.minimumf %min3A, %min3A_92 : vector<1024x1024xf32>
      %max3A = vector.broadcast %dot_general3A_20 : vector<1024x1xf32> to vector<1024x1024xf32>
      %max3A_94 = vector.broadcast %get3A_79 : vector<1x1024xf32> to vector<1024x1024xf32>
      %max3A_95 = arith.maximumf %max3A, %max3A_94 : vector<1024x1024xf32>
      %sub3A_96 = arith.subf %min3A_93, %max3A_95 : vector<1024x1024xf32>
      %add3A_97 = arith.constant 1.000000e+00 : f32
      %add3A_98 = vector.broadcast %add3A_97 : f32 to vector<1024x1024xf32>
      %add3A_99 = arith.addf %sub3A_96, %add3A_98 : vector<1024x1024xf32>
      %max3A_100 = arith.constant 0.000000e+00 : f32
      %max3A_101 = vector.broadcast %max3A_100 : f32 to vector<1024x1024xf32>
      %max3A_102 = arith.maximumf %max3A_101, %add3A_99 : vector<1024x1024xf32>
      %min3A_103 = vector.broadcast %dot_general3A_44 : vector<1024x1xf32> to vector<1024x1024xf32>
      %min3A_104 = vector.broadcast %get3A_88 : vector<1x1024xf32> to vector<1024x1024xf32>
      %min3A_105 = arith.minimumf %min3A_103, %min3A_104 : vector<1024x1024xf32>
      %max3A_106 = vector.broadcast %dot_general3A_28 : vector<1024x1xf32> to vector<1024x1024xf32>
      %max3A_107 = vector.broadcast %get3A_82 : vector<1x1024xf32> to vector<1024x1024xf32>
      %max3A_108 = arith.maximumf %max3A_106, %max3A_107 : vector<1024x1024xf32>
      %sub3A_109 = arith.subf %min3A_105, %max3A_108 : vector<1024x1024xf32>
      %add3A_110 = arith.constant 1.000000e+00 : f32
      %add3A_111 = vector.broadcast %add3A_110 : f32 to vector<1024x1024xf32>
      %add3A_112 = arith.addf %sub3A_109, %add3A_111 : vector<1024x1024xf32>
      %max3A_113 = arith.constant 0.000000e+00 : f32
      %max3A_114 = vector.broadcast %max3A_113 : f32 to vector<1024x1024xf32>
      %max3A_115 = arith.maximumf %max3A_114, %add3A_112 : vector<1024x1024xf32>
      %mul3A_116 = arith.mulf %max3A_102, %max3A_115 : vector<1024x1024xf32>
      %add3A_117 = vector.broadcast %mul3A_52 : vector<1024x1xf32> to vector<1024x1024xf32>
      %add3A_118 = vector.broadcast %get3A_91 : vector<1x1024xf32> to vector<1024x1024xf32>
      %add3A_119 = arith.addf %add3A_117, %add3A_118 : vector<1024x1024xf32>
      %sub3A_120 = arith.subf %add3A_119, %mul3A_116 : vector<1024x1024xf32>
      %div3A = arith.divf %mul3A_116, %sub3A_120 : vector<1024x1024xf32>
      %gt3A_121 = arith.constant 0.699999988 : f32
      %gt3A_122 = vector.broadcast %gt3A_121 : f32 to vector<1024x1024xf32>
      %gt3A_123 = arith.cmpf ogt, %div3A, %gt3A_122 : vector<1024x1024xf32>
      %gt3A_124 = vector.broadcast %iota3A_53 : vector<1024x1xi32> to vector<1024x1024xi32>
      %gt3A_125 = vector.broadcast %iota3A_76 : vector<1x1024xi32> to vector<1024x1024xi32>
      %gt3A_126 = arith.cmpi sgt, %gt3A_124, %gt3A_125 : vector<1024x1024xi32>
      %and3A = arith.andi %gt3A_123, %gt3A_126 : vector<1024x1024xi1>
      %convert_element_type3A_127 = arith.extui %and3A : vector<1024x1024xi1> to vector<1024x1024xi32>
      %convert_element_type3A_128 = arith.sitofp %convert_element_type3A_127 : vector<1024x1024xi32> to vector<1024x1024xf32>
      %swap3A = arith.constant 0 : index
      %swap3A_129 = arith.constant 0 : index
      %swap3A_130 = vector.load %arg7[%swap3A, %swap3A_129] : memref<1024x1024xf32, #tpu.memory_space<vmem>>, vector<1024x1024xf32>
      tpu.vector_store %arg7[%swap3A, %swap3A_129], %convert_element_type3A_128 {strides = array<i32>} : memref<1024x1024xf32, #tpu.memory_space<vmem>>, vector<1024x1024xf32>,
      %while3A_131 = arith.constant true
      %while3A_132:2 = scf.while (%while3A_173 = %select_n3A, %while3A_174 = %while3A_131) : (vector<1024x1xf32>, i1) -> (vector<1024x1xf32>, i1) {
        scf.condition(%while3A_174) %while3A_173, %while3A_174 : vector<1024x1xf32>, i1
      } do {
      ^bb0(%while3A_173: vector<1024x1xf32>, %while3A_174: i1):
        %get3A_175 = arith.constant 0 : index
        %get3A_176 = arith.constant 0 : index
        %get3A_177 = vector.load %arg7[%get3A_175, %get3A_176] : memref<1024x1024xf32, #tpu.memory_space<vmem>>, vector<1024x1024xf32>
        %dot_general3A_178 = arith.constant dense<0.000000e+00> : vector<1024x1xf32>
        %dot_general3A_179 = tpu.matmul %get3A_177, %while3A_173, %dot_general3A_178 {dimension_numbers = #tpu.dot_dimension_numbers<[1], [0], [0], [1], [0, 0, 1, 1], [], []>, precision = #tpu.contract_precision<fp32>, transpose_lhs_hint = false} : vector<1024x1024xf32>, vector<1024x1xf32>, vector<1024x1xf32> -> vector<1024x1xf32>
        %gt3A_180 = arith.constant 5.000000e-01 : f32
        %gt3A_181 = vector.broadcast %gt3A_180 : f32 to vector<1024x1xf32>
        %gt3A_182 = arith.cmpf ogt, %dot_general3A_179, %gt3A_181 : vector<1024x1xf32>
        %jit3A_183 = arith.constant 0.000000e+00 : f32
        %broadcast_in_dim3A_184 = vector.broadcast %jit3A_183 : f32 to vector<1024x1xf32>
        %select_n3A_185 = arith.select %gt3A_182, %broadcast_in_dim3A_184, %select_n3A : vector<1024x1xi1>, vector<1024x1xf32>
        %sub3A_186 = arith.subf %select_n3A_185, %while3A_173 : vector<1024x1xf32>
        %abs3A = math.absf %sub3A_186 : vector<1024x1xf32>
        %reduce_sum3A_187 = vector.shape_cast %abs3A : vector<1024x1xf32> to vector<1x1024x1xf32>
        %reduce_sum3A_188 = arith.constant dense<0.000000e+00> : vector<1xf32>
        %reduce_sum3A_189 = vector.multi_reduction <add>, %reduce_sum3A_187, %reduce_sum3A_188 [1, 2] : vector<1x1024x1xf32> to vector<1xf32>
        %reduce_sum3A_190 = vector.shape_cast %reduce_sum3A_189 : vector<1xf32> to vector<1x1x1xf32>
        %reduce_sum3A_191 = vector.extract %reduce_sum3A_190[0, 0, 0] : f32 from vector<1x1x1xf32>
        %gt3A_192 = arith.constant 0.000000e+00 : f32
        %gt3A_193 = arith.cmpf ogt, %reduce_sum3A_191, %gt3A_192 : f32
        scf.yield %select_n3A_185, %gt3A_193 : vector<1024x1xf32>, i1
      }
      %get3A_133 = arith.constant 0 : index
      %get3A_134 = arith.constant 0 : index
      %get3A_135 = vector.load %arg6[%get3A_133, %get3A_134] : memref<1024x1024xf32, #tpu.memory_space<vmem>>, vector<1024x1024xf32>
      %dot_general3A_136 = arith.constant dense<0.000000e+00> : vector<1x1024xf32>
      %dot_general3A_137 = tpu.matmul %while3A_132#0, %get3A_135, %dot_general3A_136 {dimension_numbers = #tpu.dot_dimension_numbers<[0], [0], [1], [1], [0, 1, 1, 1], [], []>, precision = #tpu.contract_precision<fp32>, transpose_lhs_hint = false} : vector<1024x1xf32>, vector<1024x1024xf32>, vector<1x1024xf32> -> vector<1x1024xf32>
      %swap3A_138 = arith.index_cast %arg0 : i32 to index
      %swap3A_139 = arith.constant 0 : index
      %swap3A_140 = vector.load %arg10[%swap3A_138, %swap3A_139] : memref<12x1024xf32, #tpu.memory_space<vmem>>, vector<1x1024xf32>
      tpu.vector_store %arg10[%swap3A_138, %swap3A_139], %dot_general3A_137 {strides = array<i32>} : memref<12x1024xf32, #tpu.memory_space<vmem>>, vector<1x1024xf32>,
      %get3A_141 = arith.constant 0 : index
      %get3A_142 = arith.constant 0 : index
      %get3A_143 = vector.load %arg8[%get3A_141, %get3A_142] : memref<1024x1024xf32, #tpu.memory_space<vmem>>, vector<1024x1024xf32>
      %dot_general3A_144 = arith.constant dense<0.000000e+00> : vector<1x1024xf32>
      %dot_general3A_145 = tpu.matmul %dot_general3A_137, %get3A_143, %dot_general3A_144 {dimension_numbers = #tpu.dot_dimension_numbers<[1], [0], [0], [1], [0, 0, 1, 1], [], []>, precision = #tpu.contract_precision<fp32>, transpose_lhs_hint = false} : vector<1x1024xf32>, vector<1024x1024xf32>, vector<1x1024xf32> -> vector<1x1024xf32>
      %gt3A_146 = arith.constant 5.000000e-01 : f32
      %gt3A_147 = vector.broadcast %gt3A_146 : f32 to vector<1x1024xf32>
      %gt3A_148 = arith.cmpf ogt, %dot_general3A_137, %gt3A_147 : vector<1x1024xf32>
      %get3A_149 = arith.constant 0 : index
      %get3A_150 = memref.load %arg11[%get3A_149] : memref<1xf32, #tpu.memory_space<smem>>
      %add3A_151 = vector.broadcast %get3A_150 : f32 to vector<1x1024xf32>
      %add3A_152 = arith.addf %add3A_151, %dot_general3A_145 : vector<1x1024xf32>
      %sub3A_153 = arith.constant 1.000000e+00 : f32
      %sub3A_154 = vector.broadcast %sub3A_153 : f32 to vector<1x1024xf32>
      %sub3A_155 = arith.subf %add3A_152, %sub3A_154 : vector<1x1024xf32>
      %add3A_156 = arith.constant 2.048000e+03 : f32
      %add3A_157 = vector.broadcast %add3A_156 : f32 to vector<1x1024xf32>
      %add3A_158 = arith.addf %add3A_157, %convert_element_type3A_6 : vector<1x1024xf32>
      %select_n3A_159 = arith.select %gt3A_148, %sub3A_155, %add3A_158 : vector<1x1024xi1>, vector<1x1024xf32>
      %convert_element_type3A_160 = arith.fptosi %select_n3A_159 : vector<1x1024xf32> to vector<1x1024xi32>
      %swap3A_161 = arith.index_cast %arg0 : i32 to index
      %swap3A_162 = arith.constant 0 : index
      %swap3A_163 = vector.load %arg5[%swap3A_161, %swap3A_162] : memref<12x1024xi32, #tpu.memory_space<vmem>>, vector<1x1024xi32>
      tpu.vector_store %arg5[%swap3A_161, %swap3A_162], %convert_element_type3A_160 {strides = array<i32>} : memref<12x1024xi32, #tpu.memory_space<vmem>>, vector<1x1024xi32>,
      %get3A_164 = arith.constant 0 : index
      %get3A_165 = memref.load %arg11[%get3A_164] : memref<1xf32, #tpu.memory_space<smem>>
      %reduce_sum3A = vector.shape_cast %while3A_132#0 : vector<1024x1xf32> to vector<1x1024x1xf32>
      %reduce_sum3A_166 = arith.constant dense<0.000000e+00> : vector<1xf32>
      %reduce_sum3A_167 = vector.multi_reduction <add>, %reduce_sum3A, %reduce_sum3A_166 [1, 2] : vector<1x1024x1xf32> to vector<1xf32>
      %reduce_sum3A_168 = vector.shape_cast %reduce_sum3A_167 : vector<1xf32> to vector<1x1x1xf32>
      %reduce_sum3A_169 = vector.extract %reduce_sum3A_168[0, 0, 0] : f32 from vector<1x1x1xf32>
      %add3A_170 = arith.addf %get3A_165, %reduce_sum3A_169 : f32
      %swap3A_171 = arith.constant 0 : index
      %swap3A_172 = memref.load %arg11[%swap3A_171] : memref<1xf32, #tpu.memory_space<smem>>
      memref.store %add3A_170, %arg11[%swap3A_171] : memref<1xf32, #tpu.memory_space<smem>>
    } else {
    }
    %convert_element_type3A_11 = arith.extui %ge3A_3 : i1 to i32
    %cond3A_12 = arith.constant 0 : i32
    %cond3A_13 = arith.cmpi ne, %convert_element_type3A_11, %cond3A_12 : i32
    scf.if %cond3A_13 {
      %add3A_14 = arith.constant 2.048000e+03 : f32
      %add3A_15 = vector.broadcast %add3A_14 : f32 to vector<1x1024xf32>
      %add3A_16 = arith.addf %add3A_15, %convert_element_type3A_6 : vector<1x1024xf32>
      %convert_element_type3A_17 = arith.fptosi %add3A_16 : vector<1x1024xf32> to vector<1x1024xi32>
      %swap3A = arith.index_cast %arg0 : i32 to index
      %swap3A_18 = arith.constant 0 : index
      %swap3A_19 = vector.load %arg5[%swap3A, %swap3A_18] : memref<12x1024xi32, #tpu.memory_space<vmem>>, vector<1x1024xi32>
      tpu.vector_store %arg5[%swap3A, %swap3A_18], %convert_element_type3A_17 {strides = array<i32>} : memref<12x1024xi32, #tpu.memory_space<vmem>>, vector<1x1024xi32>,
    } else {
    }
    return
  }
  func.func @transform_0(%arg0: i32) -> (i32, i32) {
    %c0_i32 = arith.constant 0 : i32
    %c0_i32_0 = arith.constant 0 : i32
    %c0_i32_1 = arith.constant 0 : i32
    return %c0_i32, %c0_i32_0 : i32, i32
  }
  func.func @transform_1(%arg0: i32) -> (i32, i32) {
    %c0_i32 = arith.constant 0 : i32
    %c0_i32_0 = arith.constant 0 : i32
    %c0_i32_1 = arith.constant 0 : i32
    return %c0_i32, %c0_i32_0 : i32, i32
  }
  func.func @transform_2(%arg0: i32) -> (i32, i32) {
    %c0_i32 = arith.constant 0 : i32
    %c0_i32_0 = arith.constant 0 : i32
    %c0_i32_1 = arith.constant 0 : i32
    return %c0_i32, %c0_i32_0 : i32, i32
  }
  func.func @transform_3(%arg0: i32) -> (i32, i32) {
    %c0_i32 = arith.constant 0 : i32
    %c0_i32_0 = arith.constant 0 : i32
    %c0_i32_1 = arith.constant 0 : i32
    return %c0_i32, %c0_i32_0 : i32, i32
  }
  func.func @transform_4(%arg0: i32) -> (i32, i32) {
    %c0_i32 = arith.constant 0 : i32
    %c0_i32_0 = arith.constant 0 : i32
    %c0_i32_1 = arith.constant 0 : i32
    return %c0_i32, %c0_i32_0 : i32, i32
  }
}

</mosaic_0001>

<sc_bundles>
// kernel: gather_offload_async_start.1
scs
__scs_entry_jumppad:
0x0: {  	(pc) =	sbr.rel $0x88, $3  }
0x1: {  	(tag) =	ssettag $0x0;
	lr =	simm.s32 $0x1  }
0x2: {  	[smem:$0x3F9F] =	sst lr;
	_ =	strace $0xD0000000  }
0x3: {  	_ = 	snop  }
0x4: {  	_ = 	snop  }
0x5: {  	_ = 	snop  }
0x6: {  	_ = 	snop  }
0x7: {  	_ = 	snop  }
__scs_overlays_trampoline_lowered:
0x8: {  	[smem:$0x3FAE] =	sst s0  }
0x9: {  	[smem:$0x3FAF] =	sst s1  }
0xa: {  	[smem:$0x3FB0] =	sst s2  }
0xb: {  	[smem:$0x3FB1] =	sst s3  }
0xc: {  	[smem:$0x3FB2] =	sst s4  }
0xd: {  	[smem:$0x3FB3] =	sst s5  }
0xe: {  	[smem:$0x3FB4] =	sst s6  }
0xf: {  	[smem:$0x3FB5] =	sst s7  }
0x10: {  	[smem:$0x3FB6] =	sst s8  }
0x11: {  	[smem:$0x3FB7] =	sst s9;
	s0 =	simm.s32 @!p0 $0x0  }
0x12: {  	s1 =	sld [smem:$0x3F9D];
	s0 =	simm.s32 @p0 $0x1  }
0x13: {  	[smem:$0x3FB8] =	sst s0;
	s0 =	simm.s32 @!p1 $0x0  }
0x14: {  	s2 =	sld [smem:$0x3F9C];
	s0 =	simm.s32 @p1 $0x1  }
0x15: {  	[smem:$0x3FB9] =	sst s0;
	s0 =	simm.s32 @!p2 $0x0  }
0x16: {  	s3 =	sld [smem:$0x3FDB];
	s0 =	simm.s32 @p2 $0x1  }
0x17: {  	s4 =	simm.s32 $0x1BF5;
	[smem:$0x3FBB] =	sst s0  }
0x18: {  	s0 =	sld [smem:$0x3F9E];
	_ =	swait.ge [sflag:s4], $0x0  }
0x19: {  	s7 =	sld [smem:$0x3F9F]  }
0x1a: {  	s8 =	sadd.s32 $0xFFFFE003, lr  }
0x1b: {  	s9 =	sadd.s32 $0xFFFFFEF7, lr;
	s5 =	simm.s32 $0xFFFFFFFF;
	p2 =	slt.u32 s8, $0xFFFFF086  }
0x1c: {  	p1 =	slt.u32 s9, $0xF7A;
	s5 =	simm.s32 @!p2 $0x0  }
0x1d: {  	s5 =	simm.s32 @p1 $0x1;
	p0 =	seq.s32 s7, s2  }
0x1e: {  	s7 =	smul.u32 @!p0 $0xF7A, s2;
	p2 =	seq.s32 @!p0 s5, $0x0  }
0x1f: {  	s9 =	smul.u32 $0xF7A, s1;
	s8 =	simm.s32 @!p0 $0x1BF5;
	p2 =	por !p2, p0  }
0x20: {  	[sflag:s8] =	ssyncset.s32 @!p0 $0xFFFFF086;
	s6 =	sadd.s32 @!p0 s3, s7;
	s7 =	simm.s32 @!p0 $0x108  }
0x21: {  	s3 =	sadd.s32 s3, s9;
	s6 =	sadd.s32 @!p0 $0x88, s6;
	s7 =	simm.s32 @p2 $0x1082  }
0x22: {  	[simem:s7], [sflag:s8] =	dma.local @!p0 [hbm:s6], $0xF7A  }
0x23: {  	s9 =	sor.u32 $0xD0000000, s2;
	s6 =	simm.s32 $0x108;
	_ =	swait.ge @!p0 [sflag:s8], $0x0  }
0x24: {  	s3 =	sadd.s32 $0x88, s3;
	s6 =	simm.s32 @!p1 $0x1082;
	[sflag:s4] =	ssyncset.s32 $0xFFFFF086  }
0x25: {  	[simem:s6], [sflag:s4] =	dma.local [hbm:s3], $0xF7A  }
0x26: {  	[smem:$0x3F9F] =	sst s1;
	(tag) =	ssettag s2;
	_ =	strace s9  }
0x27: {  	s1 =	sld [smem:$0x3FAF]  }
0x28: {  	s2 =	sld [smem:$0x3FB0]  }
0x29: {  	s4 =	sld [smem:$0x3FB2]  }
0x2a: {  	p0 =	seq.s32 s5, $0x0;
	s5 =	sld [smem:$0x3FB3]  }
0x2b: {  	s6 =	sld [smem:$0x3FB4]  }
0x2c: {  	s7 =	sld [smem:$0x3FB5]  }
0x2d: {  	s3 =	simm.s32 $0x108;
	s8 =	sld [smem:$0x3FB6]  }
0x2e: {  	s3 =	simm.s32 @!p0 $0x1082;
	s9 =	sld [smem:$0x3FB7]  }
0x2f: {  	lr =	sadd.s32 s0, s3;
	s0 =	sld [smem:$0x3FAE]  }
0x30: {  	s3 =	sld [smem:$0x3FB1]  }
0x31: {  	[smem:$0x3FBA] =	sst s10  }
0x32: {  	s10 =	sld [smem:$0x3FB8];
	_ =	sdelay $0x3  }
0x33: {  	p0 =	seq.s32 s10, $0x1;
	s10 =	sld [smem:$0x3FBA];
	_ =	sdelay $0x3  }
0x34: {  	[smem:$0x3FBA] =	sst s10  }
0x35: {  	s10 =	sld [smem:$0x3FB9];
	_ =	sdelay $0x3  }
0x36: {  	p1 =	seq.s32 s10, $0x1;
	s10 =	sld [smem:$0x3FBA];
	_ =	sdelay $0x3  }
0x37: {  	[smem:$0x3FBA] =	sst s10  }
0x38: {  	s10 =	sld [smem:$0x3FBB]  }
0x39: {  	_ = 	snop;
	(pc) =	sbr.ind lr, $3  }
0x3a: {  	_ = 	snop  }
0x3b: {  	_ = 	snop  }
0x3c: {  	p2 =	seq.s32 s10, $0x1;
	s10 =	sld [smem:$0x3FBA]  }
0x3d: {  	_ =	shalt  }
0x3e: {  	_ =	shalt  }
0x3f: {  	_ =	shalt  }
0x40: {  	_ =	shalt  }
0x41: {  	_ =	shalt  }
0x42: {  	_ =	shalt  }
0x43: {  	_ =	shalt  }
0x44: {  	_ =	shalt  }
0x45: {  	_ =	shalt  }
0x46: {  	_ =	shalt  }
0x47: {  	_ =	shalt  }
0x48: {  	_ =	shalt  }
0x49: {  	_ =	shalt  }
0x4a: {  	_ =	shalt  }
0x4b: {  	_ =	shalt  }
0x4c: {  	_ =	shalt  }
0x4d: {  	_ =	shalt  }
0x4e: {  	_ =	shalt  }
0x4f: {  	_ =	shalt  }
0x50: {  	_ =	shalt  }
0x51: {  	_ =	shalt  }
0x52: {  	_ =	shalt  }
0x53: {  	_ =	shalt  }
0x54: {  	_ =	shalt  }
0x55: {  	_ =	shalt  }
0x56: {  	_ =	shalt  }
0x57: {  	_ =	shalt  }
0x58: {  	_ =	shalt  }
0x59: {  	_ =	shalt  }
0x5a: {  	_ =	shalt  }
0x5b: {  	_ =	shalt  }
0x5c: {  	_ =	shalt  }
0x5d: {  	_ =	shalt  }
0x5e: {  	_ =	shalt  }
0x5f: {  	_ =	shalt  }
0x60: {  	_ =	shalt  }
0x61: {  	_ =	shalt  }
0x62: {  	_ =	shalt  }
0x63: {  	_ =	shalt  }
0x64: {  	_ =	shalt  }
0x65: {  	_ =	shalt  }
0x66: {  	_ =	shalt  }
0x67: {  	_ =	shalt  }
0x68: {  	_ =	shalt  }
0x69: {  	_ =	shalt  }
0x6a: {  	_ =	shalt  }
0x6b: {  	_ =	shalt  }
0x6c: {  	_ =	shalt  }
0x6d: {  	_ =	shalt  }
0x6e: {  	_ =	shalt  }
0x6f: {  	_ =	shalt  }
0x70: {  	_ =	shalt  }
0x71: {  	_ =	shalt  }
0x72: {  	_ =	shalt  }
0x73: {  	_ =	shalt  }
0x74: {  	_ =	shalt  }
0x75: {  	_ =	shalt  }
0x76: {  	_ =	shalt  }
0x77: {  	_ =	shalt  }
0x78: {  	_ =	shalt  }
0x79: {  	_ =	shalt  }
0x7a: {  	_ =	shalt  }
0x7b: {  	_ =	shalt  }
0x7c: {  	_ =	shalt  }
0x7d: {  	_ =	shalt  }
0x7e: {  	_ =	shalt  }
0x7f: {  	_ =	shalt  }
0x80: {  	_ =	shalt  }
0x81: {  	_ =	shalt  }
0x82: {  	_ =	shalt  }
0x83: {  	_ =	shalt  }
0x84: {  	_ =	shalt  }
0x85: {  	_ =	shalt  }
0x86: {  	_ =	shalt  }
0x87: {  	_ =	shalt  }
.Lfunc_end0:
.L_simem_size_0:
called_computation.1_lowered:
.L_overlay_start_0:
0x88: {  	s2 =	sld [smem:$0x3FD9]  }
0x89: {  	s3 =	sld [smem:$0x3FFE];
	_ =	sdelay $0x1  }
0x8a: {  	s1 =	srdreg.scid  }
0x8b: {  	s0 =	sand.u32 $0x1, s1  }
0x8c: {  	s17 =	sshll.u32 s0, $0xA;
	s2 =	sadd.s32 s3, s2  }
0x8d: {  	s2 =	sadd.s32 s2, s17  }
0x8e: {  	[smem:$0x3FC6] =	sst s2  }
0x8f: {  	_ = 	snop  }
0x90: {  	s18 =	sld [smem:$0x3FD0];
	(tm) =	ssettm $0x1  }
0x91: {  	s19 =	sld [smem:$0x3FFB];
	_ =	sdelay $0x3  }
0x92: {  	_ =	strace s19  }
0x93: {  	s2 =	sld [smem:$0x3FFC];
	_ =	sdelay $0x3  }
0x94: {  	_ =	strace s2  }
0x95: {  	s2 =	sld [smem:$0x3FFD];
	_ =	sdelay $0x3  }
0x96: {  	_ =	strace s2  }
0x97: {  	_ =	strace $0x8FFFFFFF  }
0x98: {  	s20 =	sld [smem:$0x3FDB];
	_ =	sdelay $0x1  }
0x99: {  	s4 =	simm.s32 $_scs_section_size  }
0x9a: {  	s5 =	simm.s32 $_size__tile_overlayer_lowered;
	s6 =	simm.s32 $_tile_overlayer_lowered  }
0x9b: {  	s7 =	simm.s32 $0x1BFF;
	s21 =	sshll.u32 s6, $0x1;
	s4 =	sadd.s32 s4, s20  }
0x9c: {  	s22 =	simm.s32 $0x0;
	s5 =	sshll.u32 s5, $0x1;
	s6 =	sadd.s32 s21, s4  }
0x9d: {  	[timem:s22], [sflag:s7] =	dma.local [hbm:s6], s5  }
0x9e: {  	_ =	swait.ge [sflag:s7], s5  }
0x9f: {  	s5 =	ssub.s32 $0x0, s5;
	[sflag:s7] =	ssyncset.done $0x0  }
0xa0: {  	[sflag:s7] =	ssyncadd.s32 s5;
	_ =	sdelay $0x1  }
0xa1: {  	s23 =	simm.s32 $0x1B8B  }
0xa2: {  	_ =	swait.ge [sflag:s23], $0x1  }
0xa3: {  	[sflag:s23] =	ssyncset.done $0x0  }
0xa4: {  	[sflag:s23] =	ssyncadd.s32 $0xFFFFFFFF  }
0xa5: {  	s5 =	sld [smem:$0x0]  }
0xa6: {  	s6 =	sand.u32 $0xFFFFFFFE, s1  }
0xa7: {  	p0 =	sne.s32 s1, s6  }
0xa8: {  	s6 =	sshll.u32 @p0 s6, $0xE  }
0xa9: {  	s6 =	sadd.s32 @p0 $0x11B8D, s6;
	s7 =	sshll.u32 @p0 s5, $0x11  }
0xaa: {  	s6 =	sor.u32 @p0 s7, s6  }
0xab: {  	[sflag:s6] =	ssyncadd.remote.s32 @p0 $0x1;
	_ =	sdelay $0x1  }
0xac: {  	s6 =	simm.s32 @p0 $0x1B8D  }
0xad: {  	_ =	swait.eq @p0 [sflag:s6], $0x1  }
0xae: {  	[sflag:s6] =	ssyncadd.s32 @p0 $0xFFFFFFFF  }
0xaf: {  	s7 =	sshll.u32 @!p0 s1, $0xE  }
0xb0: {  	s7 =	sor.u32 @!p0 $0x4000, s7;
	s6 =	simm.s32 @!p0 $0x1B8D  }
0xb1: {  	s5 =	sshll.u32 @!p0 s5, $0x11;
	s7 =	sadd.s32 @!p0 $0x11B8D, s7;
	_ =	swait.eq @!p0 [sflag:s6], $0x1  }
0xb2: {  	s5 =	sor.u32 @!p0 s5, s7;
	[sflag:s6] =	ssyncadd.s32 @!p0 $0xFFFFFFFF  }
0xb3: {  	s25 =	simm.s32 $0x1B8E;
	s24 =	sld [smem:$0x3FFE];
	[sflag:s5] =	ssyncadd.remote.s32 @!p0 $0x1  }
0xb4: {  	s26 =	simm.s32 $execute0_lowered;
	[smem:$0x3FD2] =	sst s25  }
0xb5: {  	s6 =	sshll.u32 s26, $0x1;
	_ =	strace $0x80000049;
	[dreg:$0x1] =	wrdreg $0xFFFFFFFF  }
0xb6: {  	s28 =	simm.s32 $_size_execute0_lowered;
	s4 =	sadd.s32 s4, s6;
	[dreg:$0x0] =	wrdreg $0x0  }
0xb7: {  	s6 =	sshll.u32 s28, $0x1;
	[dreg:$0x2] =	wrdreg s4  }
0xb8: {  	[dreg:$0x3] =	wrdreg s6  }
0xb9: {  	[dreg:$0x4] =	wrdreg $0xC0  }
0xba: {  	_ =	task [dreg:s22], $0x5FFFF  }
0xbb: {  	[dreg:$0x1] =	wrdreg $0xFFFFFFFF  }
0xbc: {  	[dreg:$0x0] =	wrdreg $0x60  }
0xbd: {  	[dreg:$0x2] =	wrdreg s24  }
0xbe: {  	[dreg:$0x3] =	wrdreg s18  }
0xbf: {  	[dreg:$0x4] =	wrdreg $0x9  }
0xc0: {  	_ =	task.clear_ibuf [dreg:s22], $0x5FFFF;
	_ =	strace $0x90000049  }
0xc1: {  	s29 =	simm.s32 $0x9;
	_ =	strace $0x8000004B  }
0xc2: {  	_ =	swait.ge [sflag:s29], $0x1  }
0xc3: {  	[sflag:s29] =	ssyncadd.s32 $0xFFFFFFFF  }
0xc4: {  	_ =	strace $0x9000004B  }
0xc5: {  	_ =	sfence  }
0xc6: {  	s30 =	sld [smem:$0x0];
	_ =	sdelay $0x2  }
0xc7: {  	s31 =	sshll.u32 s1, $0xD;
	s1 =	sshrl.u32 s1, $0x2  }
0xc8: {  	s4 =	sand.u32 $0x4000, s31;
	s1 =	sadd.s32 s1, s30  }
0xc9: {  	s0 =	sor.u32 s4, s0;
	s1 =	sshll.u32 s1, $0x11  }
0xca: {  	s0 =	sor.u32 s1, s0  }
0xcb: {  	s0 =	sadd.s32 $0x8F2B, s0  }
0xcc: {  	[sflag:s0] =	ssyncadd.remote.s32 $0x1  }
0xcd: {  	_ =	sfence.sel $0xFFFF  }
0xce: {  	[dreg:$0x0] =	wrdreg $0xFFFFFFFF;
	(pc) =	sbr.abs _section_cstart, $3  }
0xcf: {  	[dreg:$0x1] =	wrdreg $0xFFFFFFFF  }
0xd0: {  	_ =	task.clear_ibuf [dreg:s22], $0x2FFFF;
	_ =	strace $0x9FFFFFFF  }
0xd1: {  	(tm) =	ssettm $0x7FFFFFFF  }
tec
execute0_lowered:
.L_overlay_start_1:
0x0: {  	(tag) =	ssettag $0x1  }
0x1: {  	s1 =	srdreg.scid;
	s5 =	rddreg [dreg:$0x0]  }
0x2: {  	s0 =	stileid.u32;
	s2 =	rddreg [dreg:$0x1];
	s6 =	simm.s32 $0x1  }
0x3: {  	s9 =	simm.s32 $0x1;
	s10 =	simm.s32 $0x3;
	s1 =	sshll.u32 s1, $0x8  }
0x4: {  	s13 =	simm.s32 $0x0;
	s3 =	sshll.u32 s0, $0x9;
	s4 =	sand.u32 $0x100, s1  }
0x5: {  	s12 =	simm.s32 $0x0;
	s1 =	rddreg [dreg:$0x2];
	s3 =	sor.u32 s3, s4  }
0x6: {  	_ =	strace $0x8000004A;
	s4 =	sadd.s32 $0x1E00, s5;
	s8 =	ssub.s32 $0x3000, s3  }
.Ltmp0:
0x7: {  	s5 =	sadd.s32 $0x3800, s5;
	s7 =	sand.u32 $0x1F00, s8;
	(pc) =	sbr.rel .LBB2_1-.Ltmp0, $4  }
0x8: {  	[sflag:s6] =	ssyncpa.u1 $0x0;
	s11 =	smov.u32 s3;
	p0 =	sne.s32 s7, $0x0  }
0x9: {  	s8 =	sshrl.u32 s8, $0xD;
	s7 =	simm.s32 $0x2;
	s9 =	simm.s32 @!p0 $0x0  }
0xa: {  	[sflag:s7] =	ssyncpa.u1 $0x0;
	p0 =	por $0x0, $0x0;
	s8 =	sadd.s32 s9, s8  }
0xb: {  	vm0 =	vmmov $0xffff;
	[sflag:s10] =	ssyncpa.u1 $0x0;
	s10 =	simm.s32 $0x0;
	s9 =	sadd.s32 $0x1, s8  }
.LBB2_4:
0xc: {  	v2 =	vnsel vm1, $0x0, v2  }
0xd: {  	vm1 =	vgt.s32 v0, $0x0;
	v2 =	vmin.u32 v2, $0x4E1F  }
0xe: {  	v0 =	vnsel vm1, $0x0, v0  }
0xf: {  	v0 =	vmin.u32 v0, $0x4E1F  }
0x10: {  	[tilespmem:s15], [sflag:$0x1] =	stream.indirect_vreg.gather [hbm4b:s4+s10], $0x1, v1, vm0, $0x4038;
	[tilespmem:$0x400] =	vst v63  }
0x11: {  	(ifvalue) =	ssetifvalue $0x7FFFFFFF  }
0x12: {  	[tilespmem:s16], [sflag:$0x1] =	stream.indirect_vreg.gather [hbm4b:s4+s10], $0x1, v2, vm0, $0x4038;
	[tilespmem:$0x400] =	vst v63  }
0x13: {  	s29 =	sadd.s32 $0x10, s16;
	(ifvalue) =	ssetifvalue $0x7FFFFFFF  }
0x14: {  	[tilespmem:s29], [sflag:$0x1] =	stream.indirect_vreg.gather [hbm4b:s4+s10], $0x1, v0, vm0, $0x4038;
	[tilespmem:$0x400] =	vst v63  }
0x15: {  	_ =	swait.ge [sflag:s6], $0x100  }
0x16: {  	s30 =	sshrl.u32 s13, $0x3;
	[sflag:s6] =	ssyncset.done $0x0  }
0x17: {  	s31 =	sand.u32 $0x7, s13;
	s15 =	sadd.s32 s5, s30;
	[sflag:s6] =	ssyncadd.s32 $0xFFFFFF00  }
0x18: {  	[hbm4b:s15+s31] =	stream.linear.scatter [tilespmem:s14], [sflag:$0x3], $0x100, $0x38;
	[tilespmem:$0x400] =	vst v63  }
.LBB2_5:
0x19: {  	s15 =	sadd.s32 $0x2000, s11  }
0x1a: {  	p2 =	sgt.s32 s15, $0x2FFF  }
0x1b: {  	s15 =	smov.u32 @p2 s3;
	p2 =	sne.s32 s12, s9  }
.Ltmp1:
0x1c: {  	p1 =	slt.u32 s12, $0x2;
	(pc) =	sbr.rel @!p2 .LBB2_6-.Ltmp1, $4  }
0x1d: {  	s14 =	simm.s32 @!p1 $0x3  }
0x1e: {  	s16 =	sadd.s32 $0x1, s12;
	_ =	swait.ge @!p1 [sflag:s14], $0x100  }
0x1f: {  	s13 =	smov.u32 s11;
	p0 =	por !p0, !p0;
	[sflag:s14] =	ssyncset.done @!p1 $0x0  }
0x20: {  	s12 =	smov.u32 s16;
	s11 =	smov.u32 s15;
	[sflag:s14] =	ssyncadd.s32 @!p1 $0xFFFFFF00  }
.LBB2_1:
0x21: {  	p1 =	sge.u32 s12, s8  }
0x22: {  	s14 =	sxor.u32 @!p1 $0xFFFFFFFF, s12  }
0x23: {  	s31 =	sadd.s32 $0xFFFFFFFF, s12;
	s15 =	sshrl.u32 @!p1 s11, $0x3;
	s14 =	sshll.u32 @!p1 s14, $0x8  }
0x24: {  	s16 =	sand.u32 @!p1 $0x7, s11;
	s15 =	sadd.s32 @!p1 s2, s15;
	s14 =	sand.u32 @!p1 $0x100, s14  }
0x25: {  	[tilespmem:s14], [sflag:$0x2] =	stream.linear.gather @!p1 [hbm4b:s15+s16], $0x100, $0x38;
	[tilespmem:$0x400] =	vst v63  }
0x26: {  	p1 =	sge.u32 s31, s8  }
.Ltmp2:
0x27: {  	_ = 	snop;
	(pc) =	sbr.rel @p1 .LBB2_5-.Ltmp2, $1  }
0x28: {  	_ =	sdelay $0x3  }
0x29: {  	s14 =	simm.s32 $0x1  }
0x2a: {  	_ =	swait.ge [sflag:s7], $0x100;
	s14 =	simm.s32 @!p0 $0x0  }
0x2b: {  	[sflag:s7] =	ssyncset.done $0x0;
	s14 =	sshll.u32 s14, $0x8  }
0x2c: {  	[sflag:s7] =	ssyncadd.s32 $0xFFFFFF00;
	(ifvalue) =	ssetifvalue $0x7FFFFFFF;
	v0 =	vld.msk [tilespmem:s14+$0x0 ss:$0x1], $0xffff;
	_ =	sdelay $0x4  }
0x2d: {  	s15 =	sadd.s32 $0x10, s14;
	vm1 =	vgt.s32 v0, $0x0  }
0x2e: {  	v2 =	vld.msk [tilespmem:s15+$0x0 ss:$0x1], $0xffff;
	v1 =	vnsel vm1, $0x0, v0  }
0x2f: {  	v1 =	vmin.u32 v1, $0x4E1F;
	_ =	sdelay $0x1  }
0x30: {  	s16 =	sshll.u32 s12, $0x8;
	s18 =	simm.s32 $0x20  }
0x31: {  	s16 =	sand.u32 $0x100, s16;
	s17 =	sadd.s32 $0x10, s15;
	s15 =	sor.u32 $0x200, s14  }
0x32: {  	s14 =	sor.u32 $0x200, s16;
	s16 =	sadd.s32 $0x10, s15;
	v0 =	vld.msk [tilespmem:s17+$0x0 ss:$0x1], $0xffff;
	vm1 =	vgt.s32 v2, $0x0;
	(ifvalue) =	ssetifvalue $0x7FFFFFFF  }
.LBB2_3:
0x33: {  	[tilespmem:s15], [sflag:$0x1] =	stream.indirect_vreg.gather [hbm4b:s4+s10], $0x1, v1, vm0, $0x4038;
	[tilespmem:$0x400] =	vst v63  }
0x34: {  	s18 =	sadd.s32 $0x10, s18  }
0x35: {  	v2 =	vnsel vm1, $0x0, v2;
	p1 =	slt.u32 s18, $0xF0  }
.Ltmp3:
0x36: {  	s15 =	smov.u32 s16;
	v1 =	vmin.u32 v2, $0x4E1F;
	(pc) =	sbr.rel @p1 .LBB2_3-.Ltmp3, $3  }
0x37: {  	_ =	sdelay $0x1  }
0x38: {  	s17 =	sadd.s32 $0x10, s17  }
0x39: {  	vm1 =	vgt.s32 v0, $0x0;
	s16 =	sadd.s32 $0x10, s16;
	v2 =	vmov v0;
	(ifvalue) =	ssetifvalue $0x7FFFFFFF;
	v0 =	vld.msk [tilespmem:s17+$0x0 ss:$0x1], $0xffff  }
.Ltmp4:
0x3a: {  	_ = 	snop;
	(pc) =	sbr.rel .LBB2_4-.Ltmp4, $1  }
0x3b: {  	_ =	sdelay $0x3  }
.LBB2_6:
0x3c: {  	_ =	sfence.sel $0x180000  }
0x3d: {  	s2 =	simm.s32 $0x2;
	[bflag:$0x0] =	sbarrier.arrive $0xFFFF  }
0x3e: {  	s30 =	simm.s32 $0x3;
	[sflag:s2] =	ssyncpa.u1 $0x1  }
0x3f: {  	s31 =	simm.s32 $0x1;
	[sflag:s30] =	ssyncpa.u1 $0x1  }
0x40: {  	[sflag:s31] =	ssyncpa.u1 $0x1  }
0x41: {  	p0 =	sne.s32 s0, $0x0;
	_ =	strace $0x9000004A  }
0x42: {  	s0 =	sadd.s32 @!p0 $0x100000, s1;
	[bflag:$0x2] =	sbarrier.arrive $0xFFFF  }
0x43: {  	[sflag:s0] =	ssyncadd.tile.s32 @!p0 $0x1;
	_ =	shalt  }
.Lfunc_end2:
_tile_overlayer_lowered:
.L_overlay_start_2:
0x44: {  	(tag) =	ssettag $0x2  }
0x45: {  	s0 =	rddreg [dreg:$0x0];
	s2 =	stileid.u32  }
0x46: {  	s1 =	rddreg [dreg:$0x1];
	p0 =	sne.s32 s2, $0x0  }
0x47: {  	s3 =	rddreg [dreg:$0x2];
	[bflag:$0x3] =	sbarrier.arrive $0xFFFF;
	s2 =	simm.s32 @!p0 $0x1C01  }
0x48: {  	[timem:s3], [sflag:s2] =	dma.local @!p0 [hbm:s0], s1  }
0x49: {  	s0 =	simm.s32 @!p0 $0x1  }
0x4a: {  	_ =	swait.ge @!p0 [sflag:s0], s1  }
0x4b: {  	s1 =	ssub.s32 @!p0 $0x0, s1;
	[sflag:s0] =	ssyncset.done @!p0 $0x0  }
0x4c: {  	[sflag:s0] =	ssyncadd.s32 @!p0 s1  }
0x4d: {  	[bflag:$0x3] =	sbarrier.arrive $0xFFFF  }
0x4e: {  	_ =	shalt  }

// kernel: gather_offload_async_start.2
scs
__scs_entry_jumppad:
0x0: {  	(pc) =	sbr.rel $0x88, $3  }
0x1: {  	(tag) =	ssettag $0x0;
	lr =	simm.s32 $0x1  }
0x2: {  	[smem:$0x3F9F] =	sst lr;
	_ =	strace $0xD0000000  }
0x3: {  	_ = 	snop  }
0x4: {  	_ = 	snop  }
0x5: {  	_ = 	snop  }
0x6: {  	_ = 	snop  }
0x7: {  	_ = 	snop  }
__scs_overlays_trampoline_lowered:
0x8: {  	[smem:$0x3FAE] =	sst s0  }
0x9: {  	[smem:$0x3FAF] =	sst s1  }
0xa: {  	[smem:$0x3FB0] =	sst s2  }
0xb: {  	[smem:$0x3FB1] =	sst s3  }
0xc: {  	[smem:$0x3FB2] =	sst s4  }
0xd: {  	[smem:$0x3FB3] =	sst s5  }
0xe: {  	[smem:$0x3FB4] =	sst s6  }
0xf: {  	[smem:$0x3FB5] =	sst s7  }
0x10: {  	[smem:$0x3FB6] =	sst s8  }
0x11: {  	[smem:$0x3FB7] =	sst s9;
	s0 =	simm.s32 @!p0 $0x0  }
0x12: {  	s1 =	sld [smem:$0x3F9D];
	s0 =	simm.s32 @p0 $0x1  }
0x13: {  	[smem:$0x3FB8] =	sst s0;
	s0 =	simm.s32 @!p1 $0x0  }
0x14: {  	s2 =	sld [smem:$0x3F9C];
	s0 =	simm.s32 @p1 $0x1  }
0x15: {  	[smem:$0x3FB9] =	sst s0;
	s0 =	simm.s32 @!p2 $0x0  }
0x16: {  	s3 =	sld [smem:$0x3FDB];
	s0 =	simm.s32 @p2 $0x1  }
0x17: {  	s4 =	simm.s32 $0x1BF5;
	[smem:$0x3FBB] =	sst s0  }
0x18: {  	s0 =	sld [smem:$0x3F9E];
	_ =	swait.ge [sflag:s4], $0x0  }
0x19: {  	s7 =	sld [smem:$0x3F9F]  }
0x1a: {  	s8 =	sadd.s32 $0xFFFFE003, lr  }
0x1b: {  	s9 =	sadd.s32 $0xFFFFFEF7, lr;
	s5 =	simm.s32 $0xFFFFFFFF;
	p2 =	slt.u32 s8, $0xFFFFF086  }
0x1c: {  	p1 =	slt.u32 s9, $0xF7A;
	s5 =	simm.s32 @!p2 $0x0  }
0x1d: {  	s5 =	simm.s32 @p1 $0x1;
	p0 =	seq.s32 s7, s2  }
0x1e: {  	s7 =	smul.u32 @!p0 $0xF7A, s2;
	p2 =	seq.s32 @!p0 s5, $0x0  }
0x1f: {  	s9 =	smul.u32 $0xF7A, s1;
	s8 =	simm.s32 @!p0 $0x1BF5;
	p2 =	por !p2, p0  }
0x20: {  	[sflag:s8] =	ssyncset.s32 @!p0 $0xFFFFF086;
	s6 =	sadd.s32 @!p0 s3, s7;
	s7 =	simm.s32 @!p0 $0x108  }
0x21: {  	s3 =	sadd.s32 s3, s9;
	s6 =	sadd.s32 @!p0 $0x88, s6;
	s7 =	simm.s32 @p2 $0x1082  }
0x22: {  	[simem:s7], [sflag:s8] =	dma.local @!p0 [hbm:s6], $0xF7A  }
0x23: {  	s9 =	sor.u32 $0xD0000000, s2;
	s6 =	simm.s32 $0x108;
	_ =	swait.ge @!p0 [sflag:s8], $0x0  }
0x24: {  	s3 =	sadd.s32 $0x88, s3;
	s6 =	simm.s32 @!p1 $0x1082;
	[sflag:s4] =	ssyncset.s32 $0xFFFFF086  }
0x25: {  	[simem:s6], [sflag:s4] =	dma.local [hbm:s3], $0xF7A  }
0x26: {  	[smem:$0x3F9F] =	sst s1;
	(tag) =	ssettag s2;
	_ =	strace s9  }
0x27: {  	s1 =	sld [smem:$0x3FAF]  }
0x28: {  	s2 =	sld [smem:$0x3FB0]  }
0x29: {  	s4 =	sld [smem:$0x3FB2]  }
0x2a: {  	p0 =	seq.s32 s5, $0x0;
	s5 =	sld [smem:$0x3FB3]  }
0x2b: {  	s6 =	sld [smem:$0x3FB4]  }
0x2c: {  	s7 =	sld [smem:$0x3FB5]  }
0x2d: {  	s3 =	simm.s32 $0x108;
	s8 =	sld [smem:$0x3FB6]  }
0x2e: {  	s3 =	simm.s32 @!p0 $0x1082;
	s9 =	sld [smem:$0x3FB7]  }
0x2f: {  	lr =	sadd.s32 s0, s3;
	s0 =	sld [smem:$0x3FAE]  }
0x30: {  	s3 =	sld [smem:$0x3FB1]  }
0x31: {  	[smem:$0x3FBA] =	sst s10  }
0x32: {  	s10 =	sld [smem:$0x3FB8];
	_ =	sdelay $0x3  }
0x33: {  	p0 =	seq.s32 s10, $0x1;
	s10 =	sld [smem:$0x3FBA];
	_ =	sdelay $0x3  }
0x34: {  	[smem:$0x3FBA] =	sst s10  }
0x35: {  	s10 =	sld [smem:$0x3FB9];
	_ =	sdelay $0x3  }
0x36: {  	p1 =	seq.s32 s10, $0x1;
	s10 =	sld [smem:$0x3FBA];
	_ =	sdelay $0x3  }
0x37: {  	[smem:$0x3FBA] =	sst s10  }
0x38: {  	s10 =	sld [smem:$0x3FBB]  }
0x39: {  	_ = 	snop;
	(pc) =	sbr.ind lr, $3  }
0x3a: {  	_ = 	snop  }
0x3b: {  	_ = 	snop  }
0x3c: {  	p2 =	seq.s32 s10, $0x1;
	s10 =	sld [smem:$0x3FBA]  }
0x3d: {  	_ =	shalt  }
0x3e: {  	_ =	shalt  }
0x3f: {  	_ =	shalt  }
0x40: {  	_ =	shalt  }
0x41: {  	_ =	shalt  }
0x42: {  	_ =	shalt  }
0x43: {  	_ =	shalt  }
0x44: {  	_ =	shalt  }
0x45: {  	_ =	shalt  }
0x46: {  	_ =	shalt  }
0x47: {  	_ =	shalt  }
0x48: {  	_ =	shalt  }
0x49: {  	_ =	shalt  }
0x4a: {  	_ =	shalt  }
0x4b: {  	_ =	shalt  }
0x4c: {  	_ =	shalt  }
0x4d: {  	_ =	shalt  }
0x4e: {  	_ =	shalt  }
0x4f: {  	_ =	shalt  }
0x50: {  	_ =	shalt  }
0x51: {  	_ =	shalt  }
0x52: {  	_ =	shalt  }
0x53: {  	_ =	shalt  }
0x54: {  	_ =	shalt  }
0x55: {  	_ =	shalt  }
0x56: {  	_ =	shalt  }
0x57: {  	_ =	shalt  }
0x58: {  	_ =	shalt  }
0x59: {  	_ =	shalt  }
0x5a: {  	_ =	shalt  }
0x5b: {  	_ =	shalt  }
0x5c: {  	_ =	shalt  }
0x5d: {  	_ =	shalt  }
0x5e: {  	_ =	shalt  }
0x5f: {  	_ =	shalt  }
0x60: {  	_ =	shalt  }
0x61: {  	_ =	shalt  }
0x62: {  	_ =	shalt  }
0x63: {  	_ =	shalt  }
0x64: {  	_ =	shalt  }
0x65: {  	_ =	shalt  }
0x66: {  	_ =	shalt  }
0x67: {  	_ =	shalt  }
0x68: {  	_ =	shalt  }
0x69: {  	_ =	shalt  }
0x6a: {  	_ =	shalt  }
0x6b: {  	_ =	shalt  }
0x6c: {  	_ =	shalt  }
0x6d: {  	_ =	shalt  }
0x6e: {  	_ =	shalt  }
0x6f: {  	_ =	shalt  }
0x70: {  	_ =	shalt  }
0x71: {  	_ =	shalt  }
0x72: {  	_ =	shalt  }
0x73: {  	_ =	shalt  }
0x74: {  	_ =	shalt  }
0x75: {  	_ =	shalt  }
0x76: {  	_ =	shalt  }
0x77: {  	_ =	shalt  }
0x78: {  	_ =	shalt  }
0x79: {  	_ =	shalt  }
0x7a: {  	_ =	shalt  }
0x7b: {  	_ =	shalt  }
0x7c: {  	_ =	shalt  }
0x7d: {  	_ =	shalt  }
0x7e: {  	_ =	shalt  }
0x7f: {  	_ =	shalt  }
0x80: {  	_ =	shalt  }
0x81: {  	_ =	shalt  }
0x82: {  	_ =	shalt  }
0x83: {  	_ =	shalt  }
0x84: {  	_ =	shalt  }
0x85: {  	_ =	shalt  }
0x86: {  	_ =	shalt  }
0x87: {  	_ =	shalt  }
.Lfunc_end0:
.L_simem_size_0:
called_computation.2_lowered:
.L_overlay_start_0:
0x88: {  	s2 =	sld [smem:$0x3FD9]  }
0x89: {  	s3 =	sld [smem:$0x3FFE];
	_ =	sdelay $0x1  }
0x8a: {  	s1 =	srdreg.scid  }
0x8b: {  	s0 =	sand.u32 $0x1, s1  }
0x8c: {  	s17 =	sshll.u32 s0, $0xA;
	s2 =	sadd.s32 s3, s2  }
0x8d: {  	s2 =	sadd.s32 s2, s17  }
0x8e: {  	[smem:$0x3FC6] =	sst s2  }
0x8f: {  	_ = 	snop  }
0x90: {  	s18 =	sld [smem:$0x3FD0];
	(tm) =	ssettm $0x1  }
0x91: {  	s19 =	sld [smem:$0x3FFB];
	_ =	sdelay $0x3  }
0x92: {  	_ =	strace s19  }
0x93: {  	s2 =	sld [smem:$0x3FFC];
	_ =	sdelay $0x3  }
0x94: {  	_ =	strace s2  }
0x95: {  	s2 =	sld [smem:$0x3FFD];
	_ =	sdelay $0x3  }
0x96: {  	_ =	strace s2  }
0x97: {  	_ =	strace $0x8FFFFFFF  }
0x98: {  	s20 =	sld [smem:$0x3FDB];
	_ =	sdelay $0x1  }
0x99: {  	s4 =	simm.s32 $_scs_section_size  }
0x9a: {  	s5 =	simm.s32 $_size__tile_overlayer_lowered;
	s6 =	simm.s32 $_tile_overlayer_lowered  }
0x9b: {  	s7 =	simm.s32 $0x1BFF;
	s21 =	sshll.u32 s6, $0x1;
	s4 =	sadd.s32 s4, s20  }
0x9c: {  	s22 =	simm.s32 $0x0;
	s5 =	sshll.u32 s5, $0x1;
	s6 =	sadd.s32 s21, s4  }
0x9d: {  	[timem:s22], [sflag:s7] =	dma.local [hbm:s6], s5  }
0x9e: {  	_ =	swait.ge [sflag:s7], s5  }
0x9f: {  	s5 =	ssub.s32 $0x0, s5;
	[sflag:s7] =	ssyncset.done $0x0  }
0xa0: {  	[sflag:s7] =	ssyncadd.s32 s5;
	_ =	sdelay $0x1  }
0xa1: {  	s23 =	simm.s32 $0x1B8B  }
0xa2: {  	_ =	swait.ge [sflag:s23], $0x1  }
0xa3: {  	[sflag:s23] =	ssyncset.done $0x0  }
0xa4: {  	[sflag:s23] =	ssyncadd.s32 $0xFFFFFFFF  }
0xa5: {  	s5 =	sld [smem:$0x0]  }
0xa6: {  	s6 =	sand.u32 $0xFFFFFFFE, s1  }
0xa7: {  	p0 =	sne.s32 s1, s6  }
0xa8: {  	s6 =	sshll.u32 @p0 s6, $0xE  }
0xa9: {  	s6 =	sadd.s32 @p0 $0x11B8D, s6;
	s7 =	sshll.u32 @p0 s5, $0x11  }
0xaa: {  	s6 =	sor.u32 @p0 s7, s6  }
0xab: {  	[sflag:s6] =	ssyncadd.remote.s32 @p0 $0x1;
	_ =	sdelay $0x1  }
0xac: {  	s6 =	simm.s32 @p0 $0x1B8D  }
0xad: {  	_ =	swait.eq @p0 [sflag:s6], $0x1  }
0xae: {  	[sflag:s6] =	ssyncadd.s32 @p0 $0xFFFFFFFF  }
0xaf: {  	s7 =	sshll.u32 @!p0 s1, $0xE  }
0xb0: {  	s7 =	sor.u32 @!p0 $0x4000, s7;
	s6 =	simm.s32 @!p0 $0x1B8D  }
0xb1: {  	s5 =	sshll.u32 @!p0 s5, $0x11;
	s7 =	sadd.s32 @!p0 $0x11B8D, s7;
	_ =	swait.eq @!p0 [sflag:s6], $0x1  }
0xb2: {  	s5 =	sor.u32 @!p0 s5, s7;
	[sflag:s6] =	ssyncadd.s32 @!p0 $0xFFFFFFFF  }
0xb3: {  	s25 =	simm.s32 $0x1B8E;
	s24 =	sld [smem:$0x3FFE];
	[sflag:s5] =	ssyncadd.remote.s32 @!p0 $0x1  }
0xb4: {  	s26 =	simm.s32 $execute0_lowered;
	[smem:$0x3FD2] =	sst s25  }
0xb5: {  	s6 =	sshll.u32 s26, $0x1;
	_ =	strace $0x8000004C;
	[dreg:$0x1] =	wrdreg $0xFFFFFFFF  }
0xb6: {  	s28 =	simm.s32 $_size_execute0_lowered;
	s4 =	sadd.s32 s4, s6;
	[dreg:$0x0] =	wrdreg $0x0  }
0xb7: {  	s6 =	sshll.u32 s28, $0x1;
	[dreg:$0x2] =	wrdreg s4  }
0xb8: {  	[dreg:$0x3] =	wrdreg s6  }
0xb9: {  	[dreg:$0x4] =	wrdreg $0xC0  }
0xba: {  	_ =	task [dreg:s22], $0x5FFFF  }
0xbb: {  	[dreg:$0x1] =	wrdreg $0xFFFFFFFF  }
0xbc: {  	[dreg:$0x0] =	wrdreg $0x60  }
0xbd: {  	[dreg:$0x2] =	wrdreg s24  }
0xbe: {  	[dreg:$0x3] =	wrdreg s18  }
0xbf: {  	[dreg:$0x4] =	wrdreg $0xA  }
0xc0: {  	_ =	task.clear_ibuf [dreg:s22], $0x5FFFF;
	_ =	strace $0x9000004C  }
0xc1: {  	s29 =	simm.s32 $0xA;
	_ =	strace $0x8000004E  }
0xc2: {  	_ =	swait.ge [sflag:s29], $0x1  }
0xc3: {  	[sflag:s29] =	ssyncadd.s32 $0xFFFFFFFF  }
0xc4: {  	_ =	strace $0x9000004E  }
0xc5: {  	_ =	sfence  }
0xc6: {  	s30 =	sld [smem:$0x0];
	_ =	sdelay $0x2  }
0xc7: {  	s31 =	sshll.u32 s1, $0xD;
	s1 =	sshrl.u32 s1, $0x2  }
0xc8: {  	s4 =	sand.u32 $0x4000, s31;
	s1 =	sadd.s32 s1, s30  }
0xc9: {  	s0 =	sor.u32 s4, s0;
	s1 =	sshll.u32 s1, $0x11  }
0xca: {  	s0 =	sor.u32 s1, s0  }
0xcb: {  	s0 =	sadd.s32 $0x8F2B, s0  }
0xcc: {  	[sflag:s0] =	ssyncadd.remote.s32 $0x1  }
0xcd: {  	_ =	sfence.sel $0xFFFF  }
0xce: {  	[dreg:$0x0] =	wrdreg $0xFFFFFFFF;
	(pc) =	sbr.abs _section_cstart, $3  }
0xcf: {  	[dreg:$0x1] =	wrdreg $0xFFFFFFFF  }
0xd0: {  	_ =	task.clear_ibuf [dreg:s22], $0x2FFFF;
	_ =	strace $0x9FFFFFFF  }
0xd1: {  	(tm) =	ssettm $0x7FFFFFFF  }
tec
execute0_lowered:
.L_overlay_start_1:
0x0: {  	(tag) =	ssettag $0x1  }
0x1: {  	s1 =	srdreg.scid;
	s2 =	rddreg [dreg:$0x0]  }
0x2: {  	s0 =	stileid.u32;
	s3 =	rddreg [dreg:$0x1]  }
0x3: {  	s6 =	simm.s32 $0x1;
	s9 =	simm.s32 $0x1;
	s1 =	sshll.u32 s1, $0x8  }
0x4: {  	s10 =	simm.s32 $0x3;
	s4 =	sshll.u32 s0, $0x9;
	s5 =	sand.u32 $0x100, s1  }
0x5: {  	s13 =	simm.s32 $0x0;
	s12 =	simm.s32 $0x0;
	s4 =	sor.u32 s4, s5  }
0x6: {  	s1 =	rddreg [dreg:$0x2];
	_ =	strace $0x8000004D;
	s8 =	ssub.s32 $0x3000, s4  }
.Ltmp0:
0x7: {  	s5 =	sadd.s32 $0x1400, s2;
	s7 =	sand.u32 $0x1F00, s8;
	(pc) =	sbr.rel .LBB2_1-.Ltmp0, $4  }
0x8: {  	[sflag:s6] =	ssyncpa.u1 $0x0;
	s11 =	smov.u32 s4;
	p0 =	sne.s32 s7, $0x0  }
0x9: {  	s8 =	sshrl.u32 s8, $0xD;
	s7 =	simm.s32 $0x2;
	s9 =	simm.s32 @!p0 $0x0  }
0xa: {  	[sflag:s7] =	ssyncpa.u1 $0x0;
	p0 =	por $0x0, $0x0;
	s8 =	sadd.s32 s9, s8  }
0xb: {  	vm0 =	vmmov $0xffff;
	[sflag:s10] =	ssyncpa.u1 $0x0;
	s10 =	simm.s32 $0x0;
	s9 =	sadd.s32 $0x1, s8  }
.LBB2_4:
0xc: {  	v2 =	vnsel vm1, $0x0, v2  }
0xd: {  	vm1 =	vgt.s32 v0, $0x0;
	v2 =	vmin.u32 v2, $0x4E1F  }
0xe: {  	v0 =	vnsel vm1, $0x0, v0  }
0xf: {  	v0 =	vmin.u32 v0, $0x4E1F  }
0x10: {  	[tilespmem:s15], [sflag:$0x1] =	stream.indirect_vreg.gather [hbm4b:s5+s10], $0x1, v1, vm0, $0x4038;
	[tilespmem:$0x400] =	vst v63  }
0x11: {  	(ifvalue) =	ssetifvalue $0x7FFFFFFF  }
0x12: {  	[tilespmem:s16], [sflag:$0x1] =	stream.indirect_vreg.gather [hbm4b:s5+s10], $0x1, v2, vm0, $0x4038;
	[tilespmem:$0x400] =	vst v63  }
0x13: {  	s29 =	sadd.s32 $0x10, s16;
	(ifvalue) =	ssetifvalue $0x7FFFFFFF  }
0x14: {  	[tilespmem:s29], [sflag:$0x1] =	stream.indirect_vreg.gather [hbm4b:s5+s10], $0x1, v0, vm0, $0x4038;
	[tilespmem:$0x400] =	vst v63  }
0x15: {  	_ =	swait.ge [sflag:s6], $0x100  }
0x16: {  	s30 =	sshrl.u32 s13, $0x3;
	[sflag:s6] =	ssyncset.done $0x0  }
0x17: {  	s31 =	sand.u32 $0x7, s13;
	s15 =	sadd.s32 s2, s30;
	[sflag:s6] =	ssyncadd.s32 $0xFFFFFF00  }
0x18: {  	[hbm4b:s15+s31] =	stream.linear.scatter [tilespmem:s14], [sflag:$0x3], $0x100, $0x38;
	[tilespmem:$0x400] =	vst v63  }
.LBB2_5:
0x19: {  	s15 =	sadd.s32 $0x2000, s11  }
0x1a: {  	p2 =	sgt.s32 s15, $0x2FFF  }
0x1b: {  	s15 =	smov.u32 @p2 s4;
	p2 =	sne.s32 s12, s9  }
.Ltmp1:
0x1c: {  	p1 =	slt.u32 s12, $0x2;
	(pc) =	sbr.rel @!p2 .LBB2_6-.Ltmp1, $4  }
0x1d: {  	s14 =	simm.s32 @!p1 $0x3  }
0x1e: {  	s16 =	sadd.s32 $0x1, s12;
	_ =	swait.ge @!p1 [sflag:s14], $0x100  }
0x1f: {  	s13 =	smov.u32 s11;
	p0 =	por !p0, !p0;
	[sflag:s14] =	ssyncset.done @!p1 $0x0  }
0x20: {  	s12 =	smov.u32 s16;
	s11 =	smov.u32 s15;
	[sflag:s14] =	ssyncadd.s32 @!p1 $0xFFFFFF00  }
.LBB2_1:
0x21: {  	p1 =	sge.u32 s12, s8  }
0x22: {  	s14 =	sxor.u32 @!p1 $0xFFFFFFFF, s12  }
0x23: {  	s31 =	sadd.s32 $0xFFFFFFFF, s12;
	s15 =	sshrl.u32 @!p1 s11, $0x3;
	s14 =	sshll.u32 @!p1 s14, $0x8  }
0x24: {  	s16 =	sand.u32 @!p1 $0x7, s11;
	s15 =	sadd.s32 @!p1 s3, s15;
	s14 =	sand.u32 @!p1 $0x100, s14  }
0x25: {  	[tilespmem:s14], [sflag:$0x2] =	stream.linear.gather @!p1 [hbm4b:s15+s16], $0x100, $0x38;
	[tilespmem:$0x400] =	vst v63  }
0x26: {  	p1 =	sge.u32 s31, s8  }
.Ltmp2:
0x27: {  	_ = 	snop;
	(pc) =	sbr.rel @p1 .LBB2_5-.Ltmp2, $1  }
0x28: {  	_ =	sdelay $0x3  }
0x29: {  	s14 =	simm.s32 $0x1  }
0x2a: {  	_ =	swait.ge [sflag:s7], $0x100;
	s14 =	simm.s32 @!p0 $0x0  }
0x2b: {  	[sflag:s7] =	ssyncset.done $0x0;
	s14 =	sshll.u32 s14, $0x8  }
0x2c: {  	[sflag:s7] =	ssyncadd.s32 $0xFFFFFF00;
	(ifvalue) =	ssetifvalue $0x7FFFFFFF;
	v0 =	vld.msk [tilespmem:s14+$0x0 ss:$0x1], $0xffff;
	_ =	sdelay $0x4  }
0x2d: {  	s15 =	sadd.s32 $0x10, s14;
	vm1 =	vgt.s32 v0, $0x0  }
0x2e: {  	v2 =	vld.msk [tilespmem:s15+$0x0 ss:$0x1], $0xffff;
	v1 =	vnsel vm1, $0x0, v0  }
0x2f: {  	v1 =	vmin.u32 v1, $0x4E1F;
	_ =	sdelay $0x1  }
0x30: {  	s16 =	sshll.u32 s12, $0x8;
	s18 =	simm.s32 $0x20  }
0x31: {  	s16 =	sand.u32 $0x100, s16;
	s17 =	sadd.s32 $0x10, s15;
	s15 =	sor.u32 $0x200, s14  }
0x32: {  	s14 =	sor.u32 $0x200, s16;
	s16 =	sadd.s32 $0x10, s15;
	v0 =	vld.msk [tilespmem:s17+$0x0 ss:$0x1], $0xffff;
	vm1 =	vgt.s32 v2, $0x0;
	(ifvalue) =	ssetifvalue $0x7FFFFFFF  }
.LBB2_3:
0x33: {  	[tilespmem:s15], [sflag:$0x1] =	stream.indirect_vreg.gather [hbm4b:s5+s10], $0x1, v1, vm0, $0x4038;
	[tilespmem:$0x400] =	vst v63  }
0x34: {  	s18 =	sadd.s32 $0x10, s18  }
0x35: {  	v2 =	vnsel vm1, $0x0, v2;
	p1 =	slt.u32 s18, $0xF0  }
.Ltmp3:
0x36: {  	s15 =	smov.u32 s16;
	v1 =	vmin.u32 v2, $0x4E1F;
	(pc) =	sbr.rel @p1 .LBB2_3-.Ltmp3, $3  }
0x37: {  	_ =	sdelay $0x1  }
0x38: {  	s17 =	sadd.s32 $0x10, s17  }
0x39: {  	vm1 =	vgt.s32 v0, $0x0;
	s16 =	sadd.s32 $0x10, s16;
	v2 =	vmov v0;
	(ifvalue) =	ssetifvalue $0x7FFFFFFF;
	v0 =	vld.msk [tilespmem:s17+$0x0 ss:$0x1], $0xffff  }
.Ltmp4:
0x3a: {  	_ = 	snop;
	(pc) =	sbr.rel .LBB2_4-.Ltmp4, $1  }
0x3b: {  	_ =	sdelay $0x3  }
.LBB2_6:
0x3c: {  	_ =	sfence.sel $0x180000  }
0x3d: {  	s2 =	simm.s32 $0x2;
	[bflag:$0x0] =	sbarrier.arrive $0xFFFF  }
0x3e: {  	s30 =	simm.s32 $0x3;
	[sflag:s2] =	ssyncpa.u1 $0x1  }
0x3f: {  	s31 =	simm.s32 $0x1;
	[sflag:s30] =	ssyncpa.u1 $0x1  }
0x40: {  	[sflag:s31] =	ssyncpa.u1 $0x1  }
0x41: {  	p0 =	sne.s32 s0, $0x0;
	_ =	strace $0x9000004D  }
0x42: {  	s0 =	sadd.s32 @!p0 $0x100000, s1;
	[bflag:$0x2] =	sbarrier.arrive $0xFFFF  }
0x43: {  	[sflag:s0] =	ssyncadd.tile.s32 @!p0 $0x1;
	_ =	shalt  }
.Lfunc_end2:
_tile_overlayer_lowered:
.L_overlay_start_2:
0x44: {  	(tag) =	ssettag $0x2  }
0x45: {  	s0 =	rddreg [dreg:$0x0];
	s2 =	stileid.u32  }
0x46: {  	s1 =	rddreg [dreg:$0x1];
	p0 =	sne.s32 s2, $0x0  }
0x47: {  	s3 =	rddreg [dreg:$0x2];
	[bflag:$0x3] =	sbarrier.arrive $0xFFFF;
	s2 =	simm.s32 @!p0 $0x1C01  }
0x48: {  	[timem:s3], [sflag:s2] =	dma.local @!p0 [hbm:s0], s1  }
0x49: {  	s0 =	simm.s32 @!p0 $0x1  }
0x4a: {  	_ =	swait.ge @!p0 [sflag:s0], s1  }
0x4b: {  	s1 =	ssub.s32 @!p0 $0x0, s1;
	[sflag:s0] =	ssyncset.done @!p0 $0x0  }
0x4c: {  	[sflag:s0] =	ssyncadd.s32 @!p0 s1  }
0x4d: {  	[bflag:$0x3] =	sbarrier.arrive $0xFFFF  }
0x4e: {  	_ =	shalt  }

// kernel: gather_offload_async_start.3
scs
__scs_entry_jumppad:
0x0: {  	(pc) =	sbr.rel $0x88, $3  }
0x1: {  	(tag) =	ssettag $0x0;
	lr =	simm.s32 $0x1  }
0x2: {  	[smem:$0x3F9F] =	sst lr;
	_ =	strace $0xD0000000  }
0x3: {  	_ = 	snop  }
0x4: {  	_ = 	snop  }
0x5: {  	_ = 	snop  }
0x6: {  	_ = 	snop  }
0x7: {  	_ = 	snop  }
__scs_overlays_trampoline_lowered:
0x8: {  	[smem:$0x3FAE] =	sst s0  }
0x9: {  	[smem:$0x3FAF] =	sst s1  }
0xa: {  	[smem:$0x3FB0] =	sst s2  }
0xb: {  	[smem:$0x3FB1] =	sst s3  }
0xc: {  	[smem:$0x3FB2] =	sst s4  }
0xd: {  	[smem:$0x3FB3] =	sst s5  }
0xe: {  	[smem:$0x3FB4] =	sst s6  }
0xf: {  	[smem:$0x3FB5] =	sst s7  }
0x10: {  	[smem:$0x3FB6] =	sst s8  }
0x11: {  	[smem:$0x3FB7] =	sst s9;
	s0 =	simm.s32 @!p0 $0x0  }
0x12: {  	s1 =	sld [smem:$0x3F9D];
	s0 =	simm.s32 @p0 $0x1  }
0x13: {  	[smem:$0x3FB8] =	sst s0;
	s0 =	simm.s32 @!p1 $0x0  }
0x14: {  	s2 =	sld [smem:$0x3F9C];
	s0 =	simm.s32 @p1 $0x1  }
0x15: {  	[smem:$0x3FB9] =	sst s0;
	s0 =	simm.s32 @!p2 $0x0  }
0x16: {  	s3 =	sld [smem:$0x3FDB];
	s0 =	simm.s32 @p2 $0x1  }
0x17: {  	s4 =	simm.s32 $0x1BF5;
	[smem:$0x3FBB] =	sst s0  }
0x18: {  	s0 =	sld [smem:$0x3F9E];
	_ =	swait.ge [sflag:s4], $0x0  }
0x19: {  	s7 =	sld [smem:$0x3F9F]  }
0x1a: {  	s8 =	sadd.s32 $0xFFFFE003, lr  }
0x1b: {  	s9 =	sadd.s32 $0xFFFFFEF7, lr;
	s5 =	simm.s32 $0xFFFFFFFF;
	p2 =	slt.u32 s8, $0xFFFFF086  }
0x1c: {  	p1 =	slt.u32 s9, $0xF7A;
	s5 =	simm.s32 @!p2 $0x0  }
0x1d: {  	s5 =	simm.s32 @p1 $0x1;
	p0 =	seq.s32 s7, s2  }
0x1e: {  	s7 =	smul.u32 @!p0 $0xF7A, s2;
	p2 =	seq.s32 @!p0 s5, $0x0  }
0x1f: {  	s9 =	smul.u32 $0xF7A, s1;
	s8 =	simm.s32 @!p0 $0x1BF5;
	p2 =	por !p2, p0  }
0x20: {  	[sflag:s8] =	ssyncset.s32 @!p0 $0xFFFFF086;
	s6 =	sadd.s32 @!p0 s3, s7;
	s7 =	simm.s32 @!p0 $0x108  }
0x21: {  	s3 =	sadd.s32 s3, s9;
	s6 =	sadd.s32 @!p0 $0x88, s6;
	s7 =	simm.s32 @p2 $0x1082  }
0x22: {  	[simem:s7], [sflag:s8] =	dma.local @!p0 [hbm:s6], $0xF7A  }
0x23: {  	s9 =	sor.u32 $0xD0000000, s2;
	s6 =	simm.s32 $0x108;
	_ =	swait.ge @!p0 [sflag:s8], $0x0  }
0x24: {  	s3 =	sadd.s32 $0x88, s3;
	s6 =	simm.s32 @!p1 $0x1082;
	[sflag:s4] =	ssyncset.s32 $0xFFFFF086  }
0x25: {  	[simem:s6], [sflag:s4] =	dma.local [hbm:s3], $0xF7A  }
0x26: {  	[smem:$0x3F9F] =	sst s1;
	(tag) =	ssettag s2;
	_ =	strace s9  }
0x27: {  	s1 =	sld [smem:$0x3FAF]  }
0x28: {  	s2 =	sld [smem:$0x3FB0]  }
0x29: {  	s4 =	sld [smem:$0x3FB2]  }
0x2a: {  	p0 =	seq.s32 s5, $0x0;
	s5 =	sld [smem:$0x3FB3]  }
0x2b: {  	s6 =	sld [smem:$0x3FB4]  }
0x2c: {  	s7 =	sld [smem:$0x3FB5]  }
0x2d: {  	s3 =	simm.s32 $0x108;
	s8 =	sld [smem:$0x3FB6]  }
0x2e: {  	s3 =	simm.s32 @!p0 $0x1082;
	s9 =	sld [smem:$0x3FB7]  }
0x2f: {  	lr =	sadd.s32 s0, s3;
	s0 =	sld [smem:$0x3FAE]  }
0x30: {  	s3 =	sld [smem:$0x3FB1]  }
0x31: {  	[smem:$0x3FBA] =	sst s10  }
0x32: {  	s10 =	sld [smem:$0x3FB8];
	_ =	sdelay $0x3  }
0x33: {  	p0 =	seq.s32 s10, $0x1;
	s10 =	sld [smem:$0x3FBA];
	_ =	sdelay $0x3  }
0x34: {  	[smem:$0x3FBA] =	sst s10  }
0x35: {  	s10 =	sld [smem:$0x3FB9];
	_ =	sdelay $0x3  }
0x36: {  	p1 =	seq.s32 s10, $0x1;
	s10 =	sld [smem:$0x3FBA];
	_ =	sdelay $0x3  }
0x37: {  	[smem:$0x3FBA] =	sst s10  }
0x38: {  	s10 =	sld [smem:$0x3FBB]  }
0x39: {  	_ = 	snop;
	(pc) =	sbr.ind lr, $3  }
0x3a: {  	_ = 	snop  }
0x3b: {  	_ = 	snop  }
0x3c: {  	p2 =	seq.s32 s10, $0x1;
	s10 =	sld [smem:$0x3FBA]  }
0x3d: {  	_ =	shalt  }
0x3e: {  	_ =	shalt  }
0x3f: {  	_ =	shalt  }
0x40: {  	_ =	shalt  }
0x41: {  	_ =	shalt  }
0x42: {  	_ =	shalt  }
0x43: {  	_ =	shalt  }
0x44: {  	_ =	shalt  }
0x45: {  	_ =	shalt  }
0x46: {  	_ =	shalt  }
0x47: {  	_ =	shalt  }
0x48: {  	_ =	shalt  }
0x49: {  	_ =	shalt  }
0x4a: {  	_ =	shalt  }
0x4b: {  	_ =	shalt  }
0x4c: {  	_ =	shalt  }
0x4d: {  	_ =	shalt  }
0x4e: {  	_ =	shalt  }
0x4f: {  	_ =	shalt  }
0x50: {  	_ =	shalt  }
0x51: {  	_ =	shalt  }
0x52: {  	_ =	shalt  }
0x53: {  	_ =	shalt  }
0x54: {  	_ =	shalt  }
0x55: {  	_ =	shalt  }
0x56: {  	_ =	shalt  }
0x57: {  	_ =	shalt  }
0x58: {  	_ =	shalt  }
0x59: {  	_ =	shalt  }
0x5a: {  	_ =	shalt  }
0x5b: {  	_ =	shalt  }
0x5c: {  	_ =	shalt  }
0x5d: {  	_ =	shalt  }
0x5e: {  	_ =	shalt  }
0x5f: {  	_ =	shalt  }
0x60: {  	_ =	shalt  }
0x61: {  	_ =	shalt  }
0x62: {  	_ =	shalt  }
0x63: {  	_ =	shalt  }
0x64: {  	_ =	shalt  }
0x65: {  	_ =	shalt  }
0x66: {  	_ =	shalt  }
0x67: {  	_ =	shalt  }
0x68: {  	_ =	shalt  }
0x69: {  	_ =	shalt  }
0x6a: {  	_ =	shalt  }
0x6b: {  	_ =	shalt  }
0x6c: {  	_ =	shalt  }
0x6d: {  	_ =	shalt  }
0x6e: {  	_ =	shalt  }
0x6f: {  	_ =	shalt  }
0x70: {  	_ =	shalt  }
0x71: {  	_ =	shalt  }
0x72: {  	_ =	shalt  }
0x73: {  	_ =	shalt  }
0x74: {  	_ =	shalt  }
0x75: {  	_ =	shalt  }
0x76: {  	_ =	shalt  }
0x77: {  	_ =	shalt  }
0x78: {  	_ =	shalt  }
0x79: {  	_ =	shalt  }
0x7a: {  	_ =	shalt  }
0x7b: {  	_ =	shalt  }
0x7c: {  	_ =	shalt  }
0x7d: {  	_ =	shalt  }
0x7e: {  	_ =	shalt  }
0x7f: {  	_ =	shalt  }
0x80: {  	_ =	shalt  }
0x81: {  	_ =	shalt  }
0x82: {  	_ =	shalt  }
0x83: {  	_ =	shalt  }
0x84: {  	_ =	shalt  }
0x85: {  	_ =	shalt  }
0x86: {  	_ =	shalt  }
0x87: {  	_ =	shalt  }
.Lfunc_end0:
.L_simem_size_0:
called_computation.3_lowered:
.L_overlay_start_0:
0x88: {  	s2 =	sld [smem:$0x3FD9]  }
0x89: {  	s3 =	sld [smem:$0x3FFE];
	_ =	sdelay $0x1  }
0x8a: {  	s1 =	srdreg.scid  }
0x8b: {  	s0 =	sand.u32 $0x1, s1  }
0x8c: {  	s17 =	sshll.u32 s0, $0xA;
	s2 =	sadd.s32 s3, s2  }
0x8d: {  	s2 =	sadd.s32 s2, s17  }
0x8e: {  	[smem:$0x3FC6] =	sst s2  }
0x8f: {  	_ = 	snop  }
0x90: {  	s18 =	sld [smem:$0x3FD0];
	(tm) =	ssettm $0x1  }
0x91: {  	s19 =	sld [smem:$0x3FFB];
	_ =	sdelay $0x3  }
0x92: {  	_ =	strace s19  }
0x93: {  	s2 =	sld [smem:$0x3FFC];
	_ =	sdelay $0x3  }
0x94: {  	_ =	strace s2  }
0x95: {  	s2 =	sld [smem:$0x3FFD];
	_ =	sdelay $0x3  }
0x96: {  	_ =	strace s2  }
0x97: {  	_ =	strace $0x8FFFFFFF  }
0x98: {  	s20 =	sld [smem:$0x3FDB];
	_ =	sdelay $0x1  }
0x99: {  	s4 =	simm.s32 $_scs_section_size  }
0x9a: {  	s5 =	simm.s32 $_size__tile_overlayer_lowered;
	s6 =	simm.s32 $_tile_overlayer_lowered  }
0x9b: {  	s7 =	simm.s32 $0x1BFF;
	s21 =	sshll.u32 s6, $0x1;
	s4 =	sadd.s32 s4, s20  }
0x9c: {  	s22 =	simm.s32 $0x0;
	s5 =	sshll.u32 s5, $0x1;
	s6 =	sadd.s32 s21, s4  }
0x9d: {  	[timem:s22], [sflag:s7] =	dma.local [hbm:s6], s5  }
0x9e: {  	_ =	swait.ge [sflag:s7], s5  }
0x9f: {  	s5 =	ssub.s32 $0x0, s5;
	[sflag:s7] =	ssyncset.done $0x0  }
0xa0: {  	[sflag:s7] =	ssyncadd.s32 s5;
	_ =	sdelay $0x1  }
0xa1: {  	s23 =	simm.s32 $0x1B8B  }
0xa2: {  	_ =	swait.ge [sflag:s23], $0x1  }
0xa3: {  	[sflag:s23] =	ssyncset.done $0x0  }
0xa4: {  	[sflag:s23] =	ssyncadd.s32 $0xFFFFFFFF  }
0xa5: {  	s5 =	sld [smem:$0x0]  }
0xa6: {  	s6 =	sand.u32 $0xFFFFFFFE, s1  }
0xa7: {  	p0 =	sne.s32 s1, s6  }
0xa8: {  	s6 =	sshll.u32 @p0 s6, $0xE  }
0xa9: {  	s6 =	sadd.s32 @p0 $0x11B8D, s6;
	s7 =	sshll.u32 @p0 s5, $0x11  }
0xaa: {  	s6 =	sor.u32 @p0 s7, s6  }
0xab: {  	[sflag:s6] =	ssyncadd.remote.s32 @p0 $0x1;
	_ =	sdelay $0x1  }
0xac: {  	s6 =	simm.s32 @p0 $0x1B8D  }
0xad: {  	_ =	swait.eq @p0 [sflag:s6], $0x1  }
0xae: {  	[sflag:s6] =	ssyncadd.s32 @p0 $0xFFFFFFFF  }
0xaf: {  	s7 =	sshll.u32 @!p0 s1, $0xE  }
0xb0: {  	s7 =	sor.u32 @!p0 $0x4000, s7;
	s6 =	simm.s32 @!p0 $0x1B8D  }
0xb1: {  	s5 =	sshll.u32 @!p0 s5, $0x11;
	s7 =	sadd.s32 @!p0 $0x11B8D, s7;
	_ =	swait.eq @!p0 [sflag:s6], $0x1  }
0xb2: {  	s5 =	sor.u32 @!p0 s5, s7;
	[sflag:s6] =	ssyncadd.s32 @!p0 $0xFFFFFFFF  }
0xb3: {  	s25 =	simm.s32 $0x1B8E;
	s24 =	sld [smem:$0x3FFE];
	[sflag:s5] =	ssyncadd.remote.s32 @!p0 $0x1  }
0xb4: {  	s26 =	simm.s32 $execute0_lowered;
	[smem:$0x3FD2] =	sst s25  }
0xb5: {  	s6 =	sshll.u32 s26, $0x1;
	_ =	strace $0x8000004F;
	[dreg:$0x1] =	wrdreg $0xFFFFFFFF  }
0xb6: {  	s28 =	simm.s32 $_size_execute0_lowered;
	s4 =	sadd.s32 s4, s6;
	[dreg:$0x0] =	wrdreg $0x0  }
0xb7: {  	s6 =	sshll.u32 s28, $0x1;
	[dreg:$0x2] =	wrdreg s4  }
0xb8: {  	[dreg:$0x3] =	wrdreg s6  }
0xb9: {  	[dreg:$0x4] =	wrdreg $0xC0  }
0xba: {  	_ =	task [dreg:s22], $0x5FFFF  }
0xbb: {  	[dreg:$0x1] =	wrdreg $0xFFFFFFFF  }
0xbc: {  	[dreg:$0x0] =	wrdreg $0x60  }
0xbd: {  	[dreg:$0x2] =	wrdreg s24  }
0xbe: {  	[dreg:$0x3] =	wrdreg s18  }
0xbf: {  	[dreg:$0x4] =	wrdreg $0x9  }
0xc0: {  	_ =	task.clear_ibuf [dreg:s22], $0x5FFFF;
	_ =	strace $0x9000004F  }
0xc1: {  	s29 =	simm.s32 $0x9;
	_ =	strace $0x80000051  }
0xc2: {  	_ =	swait.ge [sflag:s29], $0x1  }
0xc3: {  	[sflag:s29] =	ssyncadd.s32 $0xFFFFFFFF  }
0xc4: {  	_ =	strace $0x90000051  }
0xc5: {  	_ =	sfence  }
0xc6: {  	s30 =	sld [smem:$0x0];
	_ =	sdelay $0x2  }
0xc7: {  	s31 =	sshll.u32 s1, $0xD;
	s1 =	sshrl.u32 s1, $0x2  }
0xc8: {  	s4 =	sand.u32 $0x4000, s31;
	s1 =	sadd.s32 s1, s30  }
0xc9: {  	s0 =	sor.u32 s4, s0;
	s1 =	sshll.u32 s1, $0x11  }
0xca: {  	s0 =	sor.u32 s1, s0  }
0xcb: {  	s0 =	sadd.s32 $0x8F2B, s0  }
0xcc: {  	[sflag:s0] =	ssyncadd.remote.s32 $0x1  }
0xcd: {  	_ =	sfence.sel $0xFFFF  }
0xce: {  	[dreg:$0x0] =	wrdreg $0xFFFFFFFF;
	(pc) =	sbr.abs _section_cstart, $3  }
0xcf: {  	[dreg:$0x1] =	wrdreg $0xFFFFFFFF  }
0xd0: {  	_ =	task.clear_ibuf [dreg:s22], $0x2FFFF;
	_ =	strace $0x9FFFFFFF  }
0xd1: {  	(tm) =	ssettm $0x7FFFFFFF  }
tec
execute0_lowered:
.L_overlay_start_1:
0x0: {  	(tag) =	ssettag $0x1  }
0x1: {  	s1 =	srdreg.scid;
	s5 =	rddreg [dreg:$0x0]  }
0x2: {  	s0 =	stileid.u32;
	s2 =	rddreg [dreg:$0x1];
	s6 =	simm.s32 $0x1  }
0x3: {  	s9 =	simm.s32 $0x1;
	s10 =	simm.s32 $0x3;
	s1 =	sshll.u32 s1, $0x8  }
0x4: {  	s13 =	simm.s32 $0x0;
	s3 =	sshll.u32 s0, $0x9;
	s4 =	sand.u32 $0x100, s1  }
0x5: {  	s12 =	simm.s32 $0x0;
	s1 =	rddreg [dreg:$0x2];
	s3 =	sor.u32 s3, s4  }
0x6: {  	_ =	strace $0x80000050;
	s4 =	sadd.s32 $0xA00, s5;
	s8 =	ssub.s32 $0x3000, s3  }
.Ltmp0:
0x7: {  	s5 =	sadd.s32 $0x1E00, s5;
	s7 =	sand.u32 $0x1F00, s8;
	(pc) =	sbr.rel .LBB2_1-.Ltmp0, $4  }
0x8: {  	[sflag:s6] =	ssyncpa.u1 $0x0;
	s11 =	smov.u32 s3;
	p0 =	sne.s32 s7, $0x0  }
0x9: {  	s8 =	sshrl.u32 s8, $0xD;
	s7 =	simm.s32 $0x2;
	s9 =	simm.s32 @!p0 $0x0  }
0xa: {  	[sflag:s7] =	ssyncpa.u1 $0x0;
	p0 =	por $0x0, $0x0;
	s8 =	sadd.s32 s9, s8  }
0xb: {  	vm0 =	vmmov $0xffff;
	[sflag:s10] =	ssyncpa.u1 $0x0;
	s10 =	simm.s32 $0x0;
	s9 =	sadd.s32 $0x1, s8  }
.LBB2_4:
0xc: {  	v2 =	vnsel vm1, $0x0, v2  }
0xd: {  	vm1 =	vgt.s32 v0, $0x0;
	v2 =	vmin.u32 v2, $0x4E1F  }
0xe: {  	v0 =	vnsel vm1, $0x0, v0  }
0xf: {  	v0 =	vmin.u32 v0, $0x4E1F  }
0x10: {  	[tilespmem:s15], [sflag:$0x1] =	stream.indirect_vreg.gather [hbm4b:s4+s10], $0x1, v1, vm0, $0x4038;
	[tilespmem:$0x400] =	vst v63  }
0x11: {  	(ifvalue) =	ssetifvalue $0x7FFFFFFF  }
0x12: {  	[tilespmem:s16], [sflag:$0x1] =	stream.indirect_vreg.gather [hbm4b:s4+s10], $0x1, v2, vm0, $0x4038;
	[tilespmem:$0x400] =	vst v63  }
0x13: {  	s29 =	sadd.s32 $0x10, s16;
	(ifvalue) =	ssetifvalue $0x7FFFFFFF  }
0x14: {  	[tilespmem:s29], [sflag:$0x1] =	stream.indirect_vreg.gather [hbm4b:s4+s10], $0x1, v0, vm0, $0x4038;
	[tilespmem:$0x400] =	vst v63  }
0x15: {  	_ =	swait.ge [sflag:s6], $0x100  }
0x16: {  	s30 =	sshrl.u32 s13, $0x3;
	[sflag:s6] =	ssyncset.done $0x0  }
0x17: {  	s31 =	sand.u32 $0x7, s13;
	s15 =	sadd.s32 s5, s30;
	[sflag:s6] =	ssyncadd.s32 $0xFFFFFF00  }
0x18: {  	[hbm4b:s15+s31] =	stream.linear.scatter [tilespmem:s14], [sflag:$0x3], $0x100, $0x38;
	[tilespmem:$0x400] =	vst v63  }
.LBB2_5:
0x19: {  	s15 =	sadd.s32 $0x2000, s11  }
0x1a: {  	p2 =	sgt.s32 s15, $0x2FFF  }
0x1b: {  	s15 =	smov.u32 @p2 s3;
	p2 =	sne.s32 s12, s9  }
.Ltmp1:
0x1c: {  	p1 =	slt.u32 s12, $0x2;
	(pc) =	sbr.rel @!p2 .LBB2_6-.Ltmp1, $4  }
0x1d: {  	s14 =	simm.s32 @!p1 $0x3  }
0x1e: {  	s16 =	sadd.s32 $0x1, s12;
	_ =	swait.ge @!p1 [sflag:s14], $0x100  }
0x1f: {  	s13 =	smov.u32 s11;
	p0 =	por !p0, !p0;
	[sflag:s14] =	ssyncset.done @!p1 $0x0  }
0x20: {  	s12 =	smov.u32 s16;
	s11 =	smov.u32 s15;
	[sflag:s14] =	ssyncadd.s32 @!p1 $0xFFFFFF00  }
.LBB2_1:
0x21: {  	p1 =	sge.u32 s12, s8  }
0x22: {  	s14 =	sxor.u32 @!p1 $0xFFFFFFFF, s12  }
0x23: {  	s31 =	sadd.s32 $0xFFFFFFFF, s12;
	s15 =	sshrl.u32 @!p1 s11, $0x3;
	s14 =	sshll.u32 @!p1 s14, $0x8  }
0x24: {  	s16 =	sand.u32 @!p1 $0x7, s11;
	s15 =	sadd.s32 @!p1 s2, s15;
	s14 =	sand.u32 @!p1 $0x100, s14  }
0x25: {  	[tilespmem:s14], [sflag:$0x2] =	stream.linear.gather @!p1 [hbm4b:s15+s16], $0x100, $0x38;
	[tilespmem:$0x400] =	vst v63  }
0x26: {  	p1 =	sge.u32 s31, s8  }
.Ltmp2:
0x27: {  	_ = 	snop;
	(pc) =	sbr.rel @p1 .LBB2_5-.Ltmp2, $1  }
0x28: {  	_ =	sdelay $0x3  }
0x29: {  	s14 =	simm.s32 $0x1  }
0x2a: {  	_ =	swait.ge [sflag:s7], $0x100;
	s14 =	simm.s32 @!p0 $0x0  }
0x2b: {  	[sflag:s7] =	ssyncset.done $0x0;
	s14 =	sshll.u32 s14, $0x8  }
0x2c: {  	[sflag:s7] =	ssyncadd.s32 $0xFFFFFF00;
	(ifvalue) =	ssetifvalue $0x7FFFFFFF;
	v0 =	vld.msk [tilespmem:s14+$0x0 ss:$0x1], $0xffff;
	_ =	sdelay $0x4  }
0x2d: {  	s15 =	sadd.s32 $0x10, s14;
	vm1 =	vgt.s32 v0, $0x0  }
0x2e: {  	v2 =	vld.msk [tilespmem:s15+$0x0 ss:$0x1], $0xffff;
	v1 =	vnsel vm1, $0x0, v0  }
0x2f: {  	v1 =	vmin.u32 v1, $0x4E1F;
	_ =	sdelay $0x1  }
0x30: {  	s16 =	sshll.u32 s12, $0x8;
	s18 =	simm.s32 $0x20  }
0x31: {  	s16 =	sand.u32 $0x100, s16;
	s17 =	sadd.s32 $0x10, s15;
	s15 =	sor.u32 $0x200, s14  }
0x32: {  	s14 =	sor.u32 $0x200, s16;
	s16 =	sadd.s32 $0x10, s15;
	v0 =	vld.msk [tilespmem:s17+$0x0 ss:$0x1], $0xffff;
	vm1 =	vgt.s32 v2, $0x0;
	(ifvalue) =	ssetifvalue $0x7FFFFFFF  }
.LBB2_3:
0x33: {  	[tilespmem:s15], [sflag:$0x1] =	stream.indirect_vreg.gather [hbm4b:s4+s10], $0x1, v1, vm0, $0x4038;
	[tilespmem:$0x400] =	vst v63  }
0x34: {  	s18 =	sadd.s32 $0x10, s18  }
0x35: {  	v2 =	vnsel vm1, $0x0, v2;
	p1 =	slt.u32 s18, $0xF0  }
.Ltmp3:
0x36: {  	s15 =	smov.u32 s16;
	v1 =	vmin.u32 v2, $0x4E1F;
	(pc) =	sbr.rel @p1 .LBB2_3-.Ltmp3, $3  }
0x37: {  	_ =	sdelay $0x1  }
0x38: {  	s17 =	sadd.s32 $0x10, s17  }
0x39: {  	vm1 =	vgt.s32 v0, $0x0;
	s16 =	sadd.s32 $0x10, s16;
	v2 =	vmov v0;
	(ifvalue) =	ssetifvalue $0x7FFFFFFF;
	v0 =	vld.msk [tilespmem:s17+$0x0 ss:$0x1], $0xffff  }
.Ltmp4:
0x3a: {  	_ = 	snop;
	(pc) =	sbr.rel .LBB2_4-.Ltmp4, $1  }
0x3b: {  	_ =	sdelay $0x3  }
.LBB2_6:
0x3c: {  	_ =	sfence.sel $0x180000  }
0x3d: {  	s2 =	simm.s32 $0x2;
	[bflag:$0x0] =	sbarrier.arrive $0xFFFF  }
0x3e: {  	s30 =	simm.s32 $0x3;
	[sflag:s2] =	ssyncpa.u1 $0x1  }
0x3f: {  	s31 =	simm.s32 $0x1;
	[sflag:s30] =	ssyncpa.u1 $0x1  }
0x40: {  	[sflag:s31] =	ssyncpa.u1 $0x1  }
0x41: {  	p0 =	sne.s32 s0, $0x0;
	_ =	strace $0x90000050  }
0x42: {  	s0 =	sadd.s32 @!p0 $0x100000, s1;
	[bflag:$0x2] =	sbarrier.arrive $0xFFFF  }
0x43: {  	[sflag:s0] =	ssyncadd.tile.s32 @!p0 $0x1;
	_ =	shalt  }
.Lfunc_end2:
_tile_overlayer_lowered:
.L_overlay_start_2:
0x44: {  	(tag) =	ssettag $0x2  }
0x45: {  	s0 =	rddreg [dreg:$0x0];
	s2 =	stileid.u32  }
0x46: {  	s1 =	rddreg [dreg:$0x1];
	p0 =	sne.s32 s2, $0x0  }
0x47: {  	s3 =	rddreg [dreg:$0x2];
	[bflag:$0x3] =	sbarrier.arrive $0xFFFF;
	s2 =	simm.s32 @!p0 $0x1C01  }
0x48: {  	[timem:s3], [sflag:s2] =	dma.local @!p0 [hbm:s0], s1  }
0x49: {  	s0 =	simm.s32 @!p0 $0x1  }
0x4a: {  	_ =	swait.ge @!p0 [sflag:s0], s1  }
0x4b: {  	s1 =	ssub.s32 @!p0 $0x0, s1;
	[sflag:s0] =	ssyncset.done @!p0 $0x0  }
0x4c: {  	[sflag:s0] =	ssyncadd.s32 @!p0 s1  }
0x4d: {  	[bflag:$0x3] =	sbarrier.arrive $0xFFFF  }
0x4e: {  	_ =	shalt  }

// kernel: gather_offload_async_start.4
scs
__scs_entry_jumppad:
0x0: {  	(pc) =	sbr.rel $0x88, $3  }
0x1: {  	(tag) =	ssettag $0x0;
	lr =	simm.s32 $0x1  }
0x2: {  	[smem:$0x3F9F] =	sst lr;
	_ =	strace $0xD0000000  }
0x3: {  	_ = 	snop  }
0x4: {  	_ = 	snop  }
0x5: {  	_ = 	snop  }
0x6: {  	_ = 	snop  }
0x7: {  	_ = 	snop  }
__scs_overlays_trampoline_lowered:
0x8: {  	[smem:$0x3FAE] =	sst s0  }
0x9: {  	[smem:$0x3FAF] =	sst s1  }
0xa: {  	[smem:$0x3FB0] =	sst s2  }
0xb: {  	[smem:$0x3FB1] =	sst s3  }
0xc: {  	[smem:$0x3FB2] =	sst s4  }
0xd: {  	[smem:$0x3FB3] =	sst s5  }
0xe: {  	[smem:$0x3FB4] =	sst s6  }
0xf: {  	[smem:$0x3FB5] =	sst s7  }
0x10: {  	[smem:$0x3FB6] =	sst s8  }
0x11: {  	[smem:$0x3FB7] =	sst s9;
	s0 =	simm.s32 @!p0 $0x0  }
0x12: {  	s1 =	sld [smem:$0x3F9D];
	s0 =	simm.s32 @p0 $0x1  }
0x13: {  	[smem:$0x3FB8] =	sst s0;
	s0 =	simm.s32 @!p1 $0x0  }
0x14: {  	s2 =	sld [smem:$0x3F9C];
	s0 =	simm.s32 @p1 $0x1  }
0x15: {  	[smem:$0x3FB9] =	sst s0;
	s0 =	simm.s32 @!p2 $0x0  }
0x16: {  	s3 =	sld [smem:$0x3FDB];
	s0 =	simm.s32 @p2 $0x1  }
0x17: {  	s4 =	simm.s32 $0x1BF5;
	[smem:$0x3FBB] =	sst s0  }
0x18: {  	s0 =	sld [smem:$0x3F9E];
	_ =	swait.ge [sflag:s4], $0x0  }
0x19: {  	s7 =	sld [smem:$0x3F9F]  }
0x1a: {  	s8 =	sadd.s32 $0xFFFFE003, lr  }
0x1b: {  	s9 =	sadd.s32 $0xFFFFFEF7, lr;
	s5 =	simm.s32 $0xFFFFFFFF;
	p2 =	slt.u32 s8, $0xFFFFF086  }
0x1c: {  	p1 =	slt.u32 s9, $0xF7A;
	s5 =	simm.s32 @!p2 $0x0  }
0x1d: {  	s5 =	simm.s32 @p1 $0x1;
	p0 =	seq.s32 s7, s2  }
0x1e: {  	s7 =	smul.u32 @!p0 $0xF7A, s2;
	p2 =	seq.s32 @!p0 s5, $0x0  }
0x1f: {  	s9 =	smul.u32 $0xF7A, s1;
	s8 =	simm.s32 @!p0 $0x1BF5;
	p2 =	por !p2, p0  }
0x20: {  	[sflag:s8] =	ssyncset.s32 @!p0 $0xFFFFF086;
	s6 =	sadd.s32 @!p0 s3, s7;
	s7 =	simm.s32 @!p0 $0x108  }
0x21: {  	s3 =	sadd.s32 s3, s9;
	s6 =	sadd.s32 @!p0 $0x88, s6;
	s7 =	simm.s32 @p2 $0x1082  }
0x22: {  	[simem:s7], [sflag:s8] =	dma.local @!p0 [hbm:s6], $0xF7A  }
0x23: {  	s9 =	sor.u32 $0xD0000000, s2;
	s6 =	simm.s32 $0x108;
	_ =	swait.ge @!p0 [sflag:s8], $0x0  }
0x24: {  	s3 =	sadd.s32 $0x88, s3;
	s6 =	simm.s32 @!p1 $0x1082;
	[sflag:s4] =	ssyncset.s32 $0xFFFFF086  }
0x25: {  	[simem:s6], [sflag:s4] =	dma.local [hbm:s3], $0xF7A  }
0x26: {  	[smem:$0x3F9F] =	sst s1;
	(tag) =	ssettag s2;
	_ =	strace s9  }
0x27: {  	s1 =	sld [smem:$0x3FAF]  }
0x28: {  	s2 =	sld [smem:$0x3FB0]  }
0x29: {  	s4 =	sld [smem:$0x3FB2]  }
0x2a: {  	p0 =	seq.s32 s5, $0x0;
	s5 =	sld [smem:$0x3FB3]  }
0x2b: {  	s6 =	sld [smem:$0x3FB4]  }
0x2c: {  	s7 =	sld [smem:$0x3FB5]  }
0x2d: {  	s3 =	simm.s32 $0x108;
	s8 =	sld [smem:$0x3FB6]  }
0x2e: {  	s3 =	simm.s32 @!p0 $0x1082;
	s9 =	sld [smem:$0x3FB7]  }
0x2f: {  	lr =	sadd.s32 s0, s3;
	s0 =	sld [smem:$0x3FAE]  }
0x30: {  	s3 =	sld [smem:$0x3FB1]  }
0x31: {  	[smem:$0x3FBA] =	sst s10  }
0x32: {  	s10 =	sld [smem:$0x3FB8];
	_ =	sdelay $0x3  }
0x33: {  	p0 =	seq.s32 s10, $0x1;
	s10 =	sld [smem:$0x3FBA];
	_ =	sdelay $0x3  }
0x34: {  	[smem:$0x3FBA] =	sst s10  }
0x35: {  	s10 =	sld [smem:$0x3FB9];
	_ =	sdelay $0x3  }
0x36: {  	p1 =	seq.s32 s10, $0x1;
	s10 =	sld [smem:$0x3FBA];
	_ =	sdelay $0x3  }
0x37: {  	[smem:$0x3FBA] =	sst s10  }
0x38: {  	s10 =	sld [smem:$0x3FBB]  }
0x39: {  	_ = 	snop;
	(pc) =	sbr.ind lr, $3  }
0x3a: {  	_ = 	snop  }
0x3b: {  	_ = 	snop  }
0x3c: {  	p2 =	seq.s32 s10, $0x1;
	s10 =	sld [smem:$0x3FBA]  }
0x3d: {  	_ =	shalt  }
0x3e: {  	_ =	shalt  }
0x3f: {  	_ =	shalt  }
0x40: {  	_ =	shalt  }
0x41: {  	_ =	shalt  }
0x42: {  	_ =	shalt  }
0x43: {  	_ =	shalt  }
0x44: {  	_ =	shalt  }
0x45: {  	_ =	shalt  }
0x46: {  	_ =	shalt  }
0x47: {  	_ =	shalt  }
0x48: {  	_ =	shalt  }
0x49: {  	_ =	shalt  }
0x4a: {  	_ =	shalt  }
0x4b: {  	_ =	shalt  }
0x4c: {  	_ =	shalt  }
0x4d: {  	_ =	shalt  }
0x4e: {  	_ =	shalt  }
0x4f: {  	_ =	shalt  }
0x50: {  	_ =	shalt  }
0x51: {  	_ =	shalt  }
0x52: {  	_ =	shalt  }
0x53: {  	_ =	shalt  }
0x54: {  	_ =	shalt  }
0x55: {  	_ =	shalt  }
0x56: {  	_ =	shalt  }
0x57: {  	_ =	shalt  }
0x58: {  	_ =	shalt  }
0x59: {  	_ =	shalt  }
0x5a: {  	_ =	shalt  }
0x5b: {  	_ =	shalt  }
0x5c: {  	_ =	shalt  }
0x5d: {  	_ =	shalt  }
0x5e: {  	_ =	shalt  }
0x5f: {  	_ =	shalt  }
0x60: {  	_ =	shalt  }
0x61: {  	_ =	shalt  }
0x62: {  	_ =	shalt  }
0x63: {  	_ =	shalt  }
0x64: {  	_ =	shalt  }
0x65: {  	_ =	shalt  }
0x66: {  	_ =	shalt  }
0x67: {  	_ =	shalt  }
0x68: {  	_ =	shalt  }
0x69: {  	_ =	shalt  }
0x6a: {  	_ =	shalt  }
0x6b: {  	_ =	shalt  }
0x6c: {  	_ =	shalt  }
0x6d: {  	_ =	shalt  }
0x6e: {  	_ =	shalt  }
0x6f: {  	_ =	shalt  }
0x70: {  	_ =	shalt  }
0x71: {  	_ =	shalt  }
0x72: {  	_ =	shalt  }
0x73: {  	_ =	shalt  }
0x74: {  	_ =	shalt  }
0x75: {  	_ =	shalt  }
0x76: {  	_ =	shalt  }
0x77: {  	_ =	shalt  }
0x78: {  	_ =	shalt  }
0x79: {  	_ =	shalt  }
0x7a: {  	_ =	shalt  }
0x7b: {  	_ =	shalt  }
0x7c: {  	_ =	shalt  }
0x7d: {  	_ =	shalt  }
0x7e: {  	_ =	shalt  }
0x7f: {  	_ =	shalt  }
0x80: {  	_ =	shalt  }
0x81: {  	_ =	shalt  }
0x82: {  	_ =	shalt  }
0x83: {  	_ =	shalt  }
0x84: {  	_ =	shalt  }
0x85: {  	_ =	shalt  }
0x86: {  	_ =	shalt  }
0x87: {  	_ =	shalt  }
.Lfunc_end0:
.L_simem_size_0:
called_computation.4_lowered:
.L_overlay_start_0:
0x88: {  	s2 =	sld [smem:$0x3FD9]  }
0x89: {  	s3 =	sld [smem:$0x3FFE];
	_ =	sdelay $0x1  }
0x8a: {  	s1 =	srdreg.scid  }
0x8b: {  	s0 =	sand.u32 $0x1, s1  }
0x8c: {  	s17 =	sshll.u32 s0, $0xA;
	s2 =	sadd.s32 s3, s2  }
0x8d: {  	s2 =	sadd.s32 s2, s17  }
0x8e: {  	[smem:$0x3FC6] =	sst s2  }
0x8f: {  	_ = 	snop  }
0x90: {  	s2 =	sld [smem:$0x3FD0];
	(tm) =	ssettm $0x1  }
0x91: {  	s18 =	sld [smem:$0x3FFB];
	_ =	sdelay $0x3  }
0x92: {  	_ =	strace s18  }
0x93: {  	s3 =	sld [smem:$0x3FFC];
	_ =	sdelay $0x3  }
0x94: {  	_ =	strace s3  }
0x95: {  	s3 =	sld [smem:$0x3FFD];
	_ =	sdelay $0x3  }
0x96: {  	_ =	strace s3  }
0x97: {  	_ =	strace $0x8FFFFFFF  }
0x98: {  	s19 =	sld [smem:$0x3FDB];
	_ =	sdelay $0x1  }
0x99: {  	s4 =	simm.s32 $_scs_section_size  }
0x9a: {  	s5 =	simm.s32 $_size__tile_overlayer_lowered;
	s6 =	simm.s32 $_tile_overlayer_lowered  }
0x9b: {  	s22 =	simm.s32 $0x1BFF;
	s21 =	sshll.u32 s6, $0x1;
	s3 =	sadd.s32 s4, s19  }
0x9c: {  	s7 =	simm.s32 $0x0;
	s20 =	sshll.u32 s5, $0x1;
	s5 =	sadd.s32 s21, s3  }
0x9d: {  	[timem:s7], [sflag:s22] =	dma.local [hbm:s5], s20  }
0x9e: {  	_ =	swait.ge [sflag:s22], s20  }
0x9f: {  	s4 =	ssub.s32 $0x0, s20;
	[sflag:s22] =	ssyncset.done $0x0  }
0xa0: {  	[sflag:s22] =	ssyncadd.s32 s4;
	_ =	sdelay $0x1  }
0xa1: {  	s23 =	simm.s32 $0x1B8B  }
0xa2: {  	_ =	swait.ge [sflag:s23], $0x1  }
0xa3: {  	[sflag:s23] =	ssyncset.done $0x0  }
0xa4: {  	s25 =	simm.s32 $0x1B8E;
	s24 =	sld [smem:$0x3FFE];
	[sflag:s23] =	ssyncadd.s32 $0xFFFFFFFF  }
0xa5: {  	s26 =	simm.s32 $execute0_lowered;
	[smem:$0x3FD2] =	sst s25  }
0xa6: {  	s5 =	sshll.u32 s26, $0x1;
	_ =	strace $0x80000052;
	[dreg:$0x1] =	wrdreg $0xFFFFFFFF  }
0xa7: {  	s28 =	simm.s32 $_size_execute0_lowered;
	s3 =	sadd.s32 s3, s5;
	[dreg:$0x0] =	wrdreg $0x0  }
0xa8: {  	s5 =	sshll.u32 s28, $0x1;
	[dreg:$0x2] =	wrdreg s3  }
0xa9: {  	[dreg:$0x3] =	wrdreg s5  }
0xaa: {  	[dreg:$0x4] =	wrdreg $0xC0  }
0xab: {  	_ =	task [dreg:s7], $0x5FFFF  }
0xac: {  	[dreg:$0x1] =	wrdreg $0xFFFFFFFF  }
0xad: {  	[dreg:$0x0] =	wrdreg $0x60  }
0xae: {  	[dreg:$0x2] =	wrdreg s24  }
0xaf: {  	[dreg:$0x3] =	wrdreg s2  }
0xb0: {  	[dreg:$0x4] =	wrdreg $0x9  }
0xb1: {  	_ =	task.clear_ibuf [dreg:s7], $0x5FFFF;
	_ =	strace $0x90000052  }
0xb2: {  	s29 =	simm.s32 $0x9;
	_ =	strace $0x80000054  }
0xb3: {  	_ =	swait.ge [sflag:s29], $0x1  }
0xb4: {  	[sflag:s29] =	ssyncadd.s32 $0xFFFFFFFF  }
0xb5: {  	_ =	strace $0x90000054  }
0xb6: {  	_ =	sfence  }
0xb7: {  	s30 =	sld [smem:$0x0];
	_ =	sdelay $0x2  }
0xb8: {  	s31 =	sshll.u32 s1, $0xD;
	s1 =	sshrl.u32 s1, $0x2  }
0xb9: {  	s3 =	sand.u32 $0x4000, s31;
	s1 =	sadd.s32 s1, s30  }
0xba: {  	s0 =	sor.u32 s3, s0;
	s1 =	sshll.u32 s1, $0x11  }
0xbb: {  	s0 =	sor.u32 s1, s0  }
0xbc: {  	s0 =	sadd.s32 $0x8F2B, s0  }
0xbd: {  	[sflag:s0] =	ssyncadd.remote.s32 $0x1  }
0xbe: {  	_ =	sfence.sel $0xFFFF  }
0xbf: {  	[dreg:$0x0] =	wrdreg $0xFFFFFFFF;
	(pc) =	sbr.abs _section_cstart, $3  }
0xc0: {  	[dreg:$0x1] =	wrdreg $0xFFFFFFFF  }
0xc1: {  	_ =	task.clear_ibuf [dreg:s7], $0x2FFFF;
	_ =	strace $0x9FFFFFFF  }
0xc2: {  	(tm) =	ssettm $0x7FFFFFFF  }
0xc3: {  	_ =	shalt  }
tec
execute0_lowered:
.L_overlay_start_1:
0x0: {  	(tag) =	ssettag $0x1  }
0x1: {  	s1 =	srdreg.scid;
	s5 =	rddreg [dreg:$0x0]  }
0x2: {  	s0 =	stileid.u32;
	s2 =	rddreg [dreg:$0x1];
	s6 =	simm.s32 $0x1  }
0x3: {  	s9 =	simm.s32 $0x1;
	s10 =	simm.s32 $0x3;
	s1 =	sshll.u32 s1, $0x8  }
0x4: {  	s13 =	simm.s32 $0x0;
	s3 =	sshll.u32 s0, $0x9;
	s4 =	sand.u32 $0x100, s1  }
0x5: {  	s12 =	simm.s32 $0x0;
	s1 =	rddreg [dreg:$0x2];
	s3 =	sor.u32 s3, s4  }
0x6: {  	_ =	strace $0x80000053;
	s4 =	sadd.s32 $0x2800, s5;
	s8 =	ssub.s32 $0x3000, s3  }
.Ltmp0:
0x7: {  	s5 =	sadd.s32 $0x600, s5;
	s7 =	sand.u32 $0x1F00, s8;
	(pc) =	sbr.rel .LBB2_1-.Ltmp0, $4  }
0x8: {  	[sflag:s6] =	ssyncpa.u1 $0x0;
	s11 =	smov.u32 s3;
	p0 =	sne.s32 s7, $0x0  }
0x9: {  	s8 =	sshrl.u32 s8, $0xD;
	s7 =	simm.s32 $0x2;
	s9 =	simm.s32 @!p0 $0x0  }
0xa: {  	[sflag:s7] =	ssyncpa.u1 $0x0;
	p0 =	por $0x0, $0x0;
	s8 =	sadd.s32 s9, s8  }
0xb: {  	vm0 =	vmmov $0xffff;
	[sflag:s10] =	ssyncpa.u1 $0x0;
	s10 =	simm.s32 $0x0;
	s9 =	sadd.s32 $0x1, s8  }
.LBB2_4:
0xc: {  	v2 =	vnsel vm1, $0x0, v2  }
0xd: {  	vm1 =	vgt.s32 v0, $0x0;
	v2 =	vmin.u32 v2, $0x4E1F  }
0xe: {  	v0 =	vnsel vm1, $0x0, v0  }
0xf: {  	v0 =	vmin.u32 v0, $0x4E1F  }
0x10: {  	[tilespmem:s15], [sflag:$0x1] =	stream.indirect_vreg.gather [hbm4b:s4+s10], $0x1, v1, vm0, $0x4038;
	[tilespmem:$0x400] =	vst v63  }
0x11: {  	(ifvalue) =	ssetifvalue $0x7FFFFFFF  }
0x12: {  	[tilespmem:s16], [sflag:$0x1] =	stream.indirect_vreg.gather [hbm4b:s4+s10], $0x1, v2, vm0, $0x4038;
	[tilespmem:$0x400] =	vst v63  }
0x13: {  	s29 =	sadd.s32 $0x10, s16;
	(ifvalue) =	ssetifvalue $0x7FFFFFFF  }
0x14: {  	[tilespmem:s29], [sflag:$0x1] =	stream.indirect_vreg.gather [hbm4b:s4+s10], $0x1, v0, vm0, $0x4038;
	[tilespmem:$0x400] =	vst v63  }
0x15: {  	_ =	swait.ge [sflag:s6], $0x100  }
0x16: {  	s30 =	sshrl.u32 s13, $0x3;
	[sflag:s6] =	ssyncset.done $0x0  }
0x17: {  	s31 =	sand.u32 $0x7, s13;
	s15 =	sadd.s32 s5, s30;
	[sflag:s6] =	ssyncadd.s32 $0xFFFFFF00  }
0x18: {  	[hbm4b:s15+s31] =	stream.linear.scatter [tilespmem:s14], [sflag:$0x3], $0x100, $0x38;
	[tilespmem:$0x400] =	vst v63  }
.LBB2_5:
0x19: {  	s15 =	sadd.s32 $0x2000, s11  }
0x1a: {  	p2 =	sgt.s32 s15, $0x2FFF  }
0x1b: {  	s15 =	smov.u32 @p2 s3;
	p2 =	sne.s32 s12, s9  }
.Ltmp1:
0x1c: {  	p1 =	slt.u32 s12, $0x2;
	(pc) =	sbr.rel @!p2 .LBB2_6-.Ltmp1, $4  }
0x1d: {  	s14 =	simm.s32 @!p1 $0x3  }
0x1e: {  	s16 =	sadd.s32 $0x1, s12;
	_ =	swait.ge @!p1 [sflag:s14], $0x100  }
0x1f: {  	s13 =	smov.u32 s11;
	p0 =	por !p0, !p0;
	[sflag:s14] =	ssyncset.done @!p1 $0x0  }
0x20: {  	s12 =	smov.u32 s16;
	s11 =	smov.u32 s15;
	[sflag:s14] =	ssyncadd.s32 @!p1 $0xFFFFFF00  }
.LBB2_1:
0x21: {  	p1 =	sge.u32 s12, s8  }
0x22: {  	s14 =	sxor.u32 @!p1 $0xFFFFFFFF, s12  }
0x23: {  	s31 =	sadd.s32 $0xFFFFFFFF, s12;
	s15 =	sshrl.u32 @!p1 s11, $0x3;
	s14 =	sshll.u32 @!p1 s14, $0x8  }
0x24: {  	s16 =	sand.u32 @!p1 $0x7, s11;
	s15 =	sadd.s32 @!p1 s2, s15;
	s14 =	sand.u32 @!p1 $0x100, s14  }
0x25: {  	[tilespmem:s14], [sflag:$0x2] =	stream.linear.gather @!p1 [hbm4b:s15+s16], $0x100, $0x38;
	[tilespmem:$0x400] =	vst v63  }
0x26: {  	p1 =	sge.u32 s31, s8  }
.Ltmp2:
0x27: {  	_ = 	snop;
	(pc) =	sbr.rel @p1 .LBB2_5-.Ltmp2, $1  }
0x28: {  	_ =	sdelay $0x3  }
0x29: {  	s14 =	simm.s32 $0x1  }
0x2a: {  	_ =	swait.ge [sflag:s7], $0x100;
	s14 =	simm.s32 @!p0 $0x0  }
0x2b: {  	[sflag:s7] =	ssyncset.done $0x0;
	s14 =	sshll.u32 s14, $0x8  }
0x2c: {  	[sflag:s7] =	ssyncadd.s32 $0xFFFFFF00;
	(ifvalue) =	ssetifvalue $0x7FFFFFFF;
	v0 =	vld.msk [tilespmem:s14+$0x0 ss:$0x1], $0xffff;
	_ =	sdelay $0x4  }
0x2d: {  	s15 =	sadd.s32 $0x10, s14;
	vm1 =	vgt.s32 v0, $0x0  }
0x2e: {  	v2 =	vld.msk [tilespmem:s15+$0x0 ss:$0x1], $0xffff;
	v1 =	vnsel vm1, $0x0, v0  }
0x2f: {  	v1 =	vmin.u32 v1, $0x4E1F;
	_ =	sdelay $0x1  }
0x30: {  	s16 =	sshll.u32 s12, $0x8;
	s18 =	simm.s32 $0x20  }
0x31: {  	s16 =	sand.u32 $0x100, s16;
	s17 =	sadd.s32 $0x10, s15;
	s15 =	sor.u32 $0x200, s14  }
0x32: {  	s14 =	sor.u32 $0x200, s16;
	s16 =	sadd.s32 $0x10, s15;
	v0 =	vld.msk [tilespmem:s17+$0x0 ss:$0x1], $0xffff;
	vm1 =	vgt.s32 v2, $0x0;
	(ifvalue) =	ssetifvalue $0x7FFFFFFF  }
.LBB2_3:
0x33: {  	[tilespmem:s15], [sflag:$0x1] =	stream.indirect_vreg.gather [hbm4b:s4+s10], $0x1, v1, vm0, $0x4038;
	[tilespmem:$0x400] =	vst v63  }
0x34: {  	s18 =	sadd.s32 $0x10, s18  }
0x35: {  	v2 =	vnsel vm1, $0x0, v2;
	p1 =	slt.u32 s18, $0xF0  }
.Ltmp3:
0x36: {  	s15 =	smov.u32 s16;
	v1 =	vmin.u32 v2, $0x4E1F;
	(pc) =	sbr.rel @p1 .LBB2_3-.Ltmp3, $3  }
0x37: {  	_ =	sdelay $0x1  }
0x38: {  	s17 =	sadd.s32 $0x10, s17  }
0x39: {  	vm1 =	vgt.s32 v0, $0x0;
	s16 =	sadd.s32 $0x10, s16;
	v2 =	vmov v0;
	(ifvalue) =	ssetifvalue $0x7FFFFFFF;
	v0 =	vld.msk [tilespmem:s17+$0x0 ss:$0x1], $0xffff  }
.Ltmp4:
0x3a: {  	_ = 	snop;
	(pc) =	sbr.rel .LBB2_4-.Ltmp4, $1  }
0x3b: {  	_ =	sdelay $0x3  }
.LBB2_6:
0x3c: {  	_ =	sfence.sel $0x180000  }
0x3d: {  	s2 =	simm.s32 $0x2;
	[bflag:$0x0] =	sbarrier.arrive $0xFFFF  }
0x3e: {  	s30 =	simm.s32 $0x3;
	[sflag:s2] =	ssyncpa.u1 $0x1  }
0x3f: {  	s31 =	simm.s32 $0x1;
	[sflag:s30] =	ssyncpa.u1 $0x1  }
0x40: {  	[sflag:s31] =	ssyncpa.u1 $0x1  }
0x41: {  	p0 =	sne.s32 s0, $0x0;
	_ =	strace $0x90000053  }
0x42: {  	s0 =	sadd.s32 @!p0 $0x100000, s1;
	[bflag:$0x2] =	sbarrier.arrive $0xFFFF  }
0x43: {  	[sflag:s0] =	ssyncadd.tile.s32 @!p0 $0x1;
	_ =	shalt  }
.Lfunc_end2:
_tile_overlayer_lowered:
.L_overlay_start_2:
0x44: {  	(tag) =	ssettag $0x2  }
0x45: {  	s0 =	rddreg [dreg:$0x0];
	s2 =	stileid.u32  }
0x46: {  	s1 =	rddreg [dreg:$0x1];
	p0 =	sne.s32 s2, $0x0  }
0x47: {  	s3 =	rddreg [dreg:$0x2];
	[bflag:$0x3] =	sbarrier.arrive $0xFFFF;
	s2 =	simm.s32 @!p0 $0x1C01  }
0x48: {  	[timem:s3], [sflag:s2] =	dma.local @!p0 [hbm:s0], s1  }
0x49: {  	s0 =	simm.s32 @!p0 $0x1  }
0x4a: {  	_ =	swait.ge @!p0 [sflag:s0], s1  }
0x4b: {  	s1 =	ssub.s32 @!p0 $0x0, s1;
	[sflag:s0] =	ssyncset.done @!p0 $0x0  }
0x4c: {  	[sflag:s0] =	ssyncadd.s32 @!p0 s1  }
0x4d: {  	[bflag:$0x3] =	sbarrier.arrive $0xFFFF  }
0x4e: {  	_ =	shalt  }

// kernel: gather_offload_async_start
scs
__scs_entry_jumppad:
0x0: {  	(pc) =	sbr.rel $0x88, $3  }
0x1: {  	(tag) =	ssettag $0x0;
	lr =	simm.s32 $0x1  }
0x2: {  	[smem:$0x3F9F] =	sst lr;
	_ =	strace $0xD0000000  }
0x3: {  	_ = 	snop  }
0x4: {  	_ = 	snop  }
0x5: {  	_ = 	snop  }
0x6: {  	_ = 	snop  }
0x7: {  	_ = 	snop  }
__scs_overlays_trampoline_lowered:
0x8: {  	[smem:$0x3FAE] =	sst s0  }
0x9: {  	[smem:$0x3FAF] =	sst s1  }
0xa: {  	[smem:$0x3FB0] =	sst s2  }
0xb: {  	[smem:$0x3FB1] =	sst s3  }
0xc: {  	[smem:$0x3FB2] =	sst s4  }
0xd: {  	[smem:$0x3FB3] =	sst s5  }
0xe: {  	[smem:$0x3FB4] =	sst s6  }
0xf: {  	[smem:$0x3FB5] =	sst s7  }
0x10: {  	[smem:$0x3FB6] =	sst s8  }
0x11: {  	[smem:$0x3FB7] =	sst s9;
	s0 =	simm.s32 @!p0 $0x0  }
0x12: {  	s1 =	sld [smem:$0x3F9D];
	s0 =	simm.s32 @p0 $0x1  }
0x13: {  	[smem:$0x3FB8] =	sst s0;
	s0 =	simm.s32 @!p1 $0x0  }
0x14: {  	s2 =	sld [smem:$0x3F9C];
	s0 =	simm.s32 @p1 $0x1  }
0x15: {  	[smem:$0x3FB9] =	sst s0;
	s0 =	simm.s32 @!p2 $0x0  }
0x16: {  	s3 =	sld [smem:$0x3FDB];
	s0 =	simm.s32 @p2 $0x1  }
0x17: {  	s4 =	simm.s32 $0x1BF5;
	[smem:$0x3FBB] =	sst s0  }
0x18: {  	s0 =	sld [smem:$0x3F9E];
	_ =	swait.ge [sflag:s4], $0x0  }
0x19: {  	s7 =	sld [smem:$0x3F9F]  }
0x1a: {  	s8 =	sadd.s32 $0xFFFFE003, lr  }
0x1b: {  	s9 =	sadd.s32 $0xFFFFFEF7, lr;
	s5 =	simm.s32 $0xFFFFFFFF;
	p2 =	slt.u32 s8, $0xFFFFF086  }
0x1c: {  	p1 =	slt.u32 s9, $0xF7A;
	s5 =	simm.s32 @!p2 $0x0  }
0x1d: {  	s5 =	simm.s32 @p1 $0x1;
	p0 =	seq.s32 s7, s2  }
0x1e: {  	s7 =	smul.u32 @!p0 $0xF7A, s2;
	p2 =	seq.s32 @!p0 s5, $0x0  }
0x1f: {  	s9 =	smul.u32 $0xF7A, s1;
	s8 =	simm.s32 @!p0 $0x1BF5;
	p2 =	por !p2, p0  }
0x20: {  	[sflag:s8] =	ssyncset.s32 @!p0 $0xFFFFF086;
	s6 =	sadd.s32 @!p0 s3, s7;
	s7 =	simm.s32 @!p0 $0x108  }
0x21: {  	s3 =	sadd.s32 s3, s9;
	s6 =	sadd.s32 @!p0 $0x88, s6;
	s7 =	simm.s32 @p2 $0x1082  }
0x22: {  	[simem:s7], [sflag:s8] =	dma.local @!p0 [hbm:s6], $0xF7A  }
0x23: {  	s9 =	sor.u32 $0xD0000000, s2;
	s6 =	simm.s32 $0x108;
	_ =	swait.ge @!p0 [sflag:s8], $0x0  }
0x24: {  	s3 =	sadd.s32 $0x88, s3;
	s6 =	simm.s32 @!p1 $0x1082;
	[sflag:s4] =	ssyncset.s32 $0xFFFFF086  }
0x25: {  	[simem:s6], [sflag:s4] =	dma.local [hbm:s3], $0xF7A  }
0x26: {  	[smem:$0x3F9F] =	sst s1;
	(tag) =	ssettag s2;
	_ =	strace s9  }
0x27: {  	s1 =	sld [smem:$0x3FAF]  }
0x28: {  	s2 =	sld [smem:$0x3FB0]  }
0x29: {  	s4 =	sld [smem:$0x3FB2]  }
0x2a: {  	p0 =	seq.s32 s5, $0x0;
	s5 =	sld [smem:$0x3FB3]  }
0x2b: {  	s6 =	sld [smem:$0x3FB4]  }
0x2c: {  	s7 =	sld [smem:$0x3FB5]  }
0x2d: {  	s3 =	simm.s32 $0x108;
	s8 =	sld [smem:$0x3FB6]  }
0x2e: {  	s3 =	simm.s32 @!p0 $0x1082;
	s9 =	sld [smem:$0x3FB7]  }
0x2f: {  	lr =	sadd.s32 s0, s3;
	s0 =	sld [smem:$0x3FAE]  }
0x30: {  	s3 =	sld [smem:$0x3FB1]  }
0x31: {  	[smem:$0x3FBA] =	sst s10  }
0x32: {  	s10 =	sld [smem:$0x3FB8];
	_ =	sdelay $0x3  }
0x33: {  	p0 =	seq.s32 s10, $0x1;
	s10 =	sld [smem:$0x3FBA];
	_ =	sdelay $0x3  }
0x34: {  	[smem:$0x3FBA] =	sst s10  }
0x35: {  	s10 =	sld [smem:$0x3FB9];
	_ =	sdelay $0x3  }
0x36: {  	p1 =	seq.s32 s10, $0x1;
	s10 =	sld [smem:$0x3FBA];
	_ =	sdelay $0x3  }
0x37: {  	[smem:$0x3FBA] =	sst s10  }
0x38: {  	s10 =	sld [smem:$0x3FBB]  }
0x39: {  	_ = 	snop;
	(pc) =	sbr.ind lr, $3  }
0x3a: {  	_ = 	snop  }
0x3b: {  	_ = 	snop  }
0x3c: {  	p2 =	seq.s32 s10, $0x1;
	s10 =	sld [smem:$0x3FBA]  }
0x3d: {  	_ =	shalt  }
0x3e: {  	_ =	shalt  }
0x3f: {  	_ =	shalt  }
0x40: {  	_ =	shalt  }
0x41: {  	_ =	shalt  }
0x42: {  	_ =	shalt  }
0x43: {  	_ =	shalt  }
0x44: {  	_ =	shalt  }
0x45: {  	_ =	shalt  }
0x46: {  	_ =	shalt  }
0x47: {  	_ =	shalt  }
0x48: {  	_ =	shalt  }
0x49: {  	_ =	shalt  }
0x4a: {  	_ =	shalt  }
0x4b: {  	_ =	shalt  }
0x4c: {  	_ =	shalt  }
0x4d: {  	_ =	shalt  }
0x4e: {  	_ =	shalt  }
0x4f: {  	_ =	shalt  }
0x50: {  	_ =	shalt  }
0x51: {  	_ =	shalt  }
0x52: {  	_ =	shalt  }
0x53: {  	_ =	shalt  }
0x54: {  	_ =	shalt  }
0x55: {  	_ =	shalt  }
0x56: {  	_ =	shalt  }
0x57: {  	_ =	shalt  }
0x58: {  	_ =	shalt  }
0x59: {  	_ =	shalt  }
0x5a: {  	_ =	shalt  }
0x5b: {  	_ =	shalt  }
0x5c: {  	_ =	shalt  }
0x5d: {  	_ =	shalt  }
0x5e: {  	_ =	shalt  }
0x5f: {  	_ =	shalt  }
0x60: {  	_ =	shalt  }
0x61: {  	_ =	shalt  }
0x62: {  	_ =	shalt  }
0x63: {  	_ =	shalt  }
0x64: {  	_ =	shalt  }
0x65: {  	_ =	shalt  }
0x66: {  	_ =	shalt  }
0x67: {  	_ =	shalt  }
0x68: {  	_ =	shalt  }
0x69: {  	_ =	shalt  }
0x6a: {  	_ =	shalt  }
0x6b: {  	_ =	shalt  }
0x6c: {  	_ =	shalt  }
0x6d: {  	_ =	shalt  }
0x6e: {  	_ =	shalt  }
0x6f: {  	_ =	shalt  }
0x70: {  	_ =	shalt  }
0x71: {  	_ =	shalt  }
0x72: {  	_ =	shalt  }
0x73: {  	_ =	shalt  }
0x74: {  	_ =	shalt  }
0x75: {  	_ =	shalt  }
0x76: {  	_ =	shalt  }
0x77: {  	_ =	shalt  }
0x78: {  	_ =	shalt  }
0x79: {  	_ =	shalt  }
0x7a: {  	_ =	shalt  }
0x7b: {  	_ =	shalt  }
0x7c: {  	_ =	shalt  }
0x7d: {  	_ =	shalt  }
0x7e: {  	_ =	shalt  }
0x7f: {  	_ =	shalt  }
0x80: {  	_ =	shalt  }
0x81: {  	_ =	shalt  }
0x82: {  	_ =	shalt  }
0x83: {  	_ =	shalt  }
0x84: {  	_ =	shalt  }
0x85: {  	_ =	shalt  }
0x86: {  	_ =	shalt  }
0x87: {  	_ =	shalt  }
.Lfunc_end0:
.L_simem_size_0:
called_computation_lowered:
.L_overlay_start_0:
0x88: {  	s2 =	sld [smem:$0x3FD9]  }
0x89: {  	s3 =	sld [smem:$0x3FFE];
	_ =	sdelay $0x1  }
0x8a: {  	s1 =	srdreg.scid  }
0x8b: {  	s0 =	sand.u32 $0x1, s1  }
0x8c: {  	s17 =	sshll.u32 s0, $0xA;
	s2 =	sadd.s32 s3, s2  }
0x8d: {  	s2 =	sadd.s32 s2, s17  }
0x8e: {  	[smem:$0x3FC6] =	sst s2  }
0x8f: {  	_ = 	snop  }
0x90: {  	s2 =	sld [smem:$0x3FD0];
	(tm) =	ssettm $0x1  }
0x91: {  	s18 =	sld [smem:$0x3FFB];
	_ =	sdelay $0x3  }
0x92: {  	_ =	strace s18  }
0x93: {  	s3 =	sld [smem:$0x3FFC];
	_ =	sdelay $0x3  }
0x94: {  	_ =	strace s3  }
0x95: {  	s3 =	sld [smem:$0x3FFD];
	_ =	sdelay $0x3  }
0x96: {  	_ =	strace s3  }
0x97: {  	_ =	strace $0x8FFFFFFF  }
0x98: {  	s19 =	sld [smem:$0x3FDB];
	_ =	sdelay $0x1  }
0x99: {  	s4 =	simm.s32 $_scs_section_size  }
0x9a: {  	s5 =	simm.s32 $_size__tile_overlayer_lowered;
	s6 =	simm.s32 $_tile_overlayer_lowered  }
0x9b: {  	s22 =	simm.s32 $0x1BFF;
	s21 =	sshll.u32 s6, $0x1;
	s3 =	sadd.s32 s4, s19  }
0x9c: {  	s7 =	simm.s32 $0x0;
	s20 =	sshll.u32 s5, $0x1;
	s5 =	sadd.s32 s21, s3  }
0x9d: {  	[timem:s7], [sflag:s22] =	dma.local [hbm:s5], s20  }
0x9e: {  	_ =	swait.ge [sflag:s22], s20  }
0x9f: {  	s4 =	ssub.s32 $0x0, s20;
	[sflag:s22] =	ssyncset.done $0x0  }
0xa0: {  	[sflag:s22] =	ssyncadd.s32 s4;
	_ =	sdelay $0x1  }
0xa1: {  	s23 =	simm.s32 $0x1B8B  }
0xa2: {  	_ =	swait.ge [sflag:s23], $0x1  }
0xa3: {  	[sflag:s23] =	ssyncset.done $0x0  }
0xa4: {  	s25 =	simm.s32 $0x1B8E;
	s24 =	sld [smem:$0x3FFE];
	[sflag:s23] =	ssyncadd.s32 $0xFFFFFFFF  }
0xa5: {  	s26 =	simm.s32 $execute0_lowered;
	[smem:$0x3FD2] =	sst s25  }
0xa6: {  	s5 =	sshll.u32 s26, $0x1;
	_ =	strace $0x80000046;
	[dreg:$0x1] =	wrdreg $0xFFFFFFFF  }
0xa7: {  	s28 =	simm.s32 $_size_execute0_lowered;
	s3 =	sadd.s32 s3, s5;
	[dreg:$0x0] =	wrdreg $0x0  }
0xa8: {  	s5 =	sshll.u32 s28, $0x1;
	[dreg:$0x2] =	wrdreg s3  }
0xa9: {  	[dreg:$0x3] =	wrdreg s5  }
0xaa: {  	[dreg:$0x4] =	wrdreg $0xC0  }
0xab: {  	_ =	task [dreg:s7], $0x5FFFF  }
0xac: {  	[dreg:$0x1] =	wrdreg $0xFFFFFFFF  }
0xad: {  	[dreg:$0x0] =	wrdreg $0x60  }
0xae: {  	[dreg:$0x2] =	wrdreg s24  }
0xaf: {  	[dreg:$0x3] =	wrdreg s2  }
0xb0: {  	[dreg:$0x4] =	wrdreg $0xA  }
0xb1: {  	_ =	task.clear_ibuf [dreg:s7], $0x5FFFF;
	_ =	strace $0x90000046  }
0xb2: {  	s29 =	simm.s32 $0xA;
	_ =	strace $0x80000048  }
0xb3: {  	_ =	swait.ge [sflag:s29], $0x1  }
0xb4: {  	[sflag:s29] =	ssyncadd.s32 $0xFFFFFFFF  }
0xb5: {  	_ =	strace $0x90000048  }
0xb6: {  	_ =	sfence  }
0xb7: {  	s30 =	sld [smem:$0x0];
	_ =	sdelay $0x2  }
0xb8: {  	s31 =	sshll.u32 s1, $0xD;
	s1 =	sshrl.u32 s1, $0x2  }
0xb9: {  	s3 =	sand.u32 $0x4000, s31;
	s1 =	sadd.s32 s1, s30  }
0xba: {  	s0 =	sor.u32 s3, s0;
	s1 =	sshll.u32 s1, $0x11  }
0xbb: {  	s0 =	sor.u32 s1, s0  }
0xbc: {  	s0 =	sadd.s32 $0x8F2B, s0  }
0xbd: {  	[sflag:s0] =	ssyncadd.remote.s32 $0x1  }
0xbe: {  	_ =	sfence.sel $0xFFFF  }
0xbf: {  	[dreg:$0x0] =	wrdreg $0xFFFFFFFF;
	(pc) =	sbr.abs _section_cstart, $3  }
0xc0: {  	[dreg:$0x1] =	wrdreg $0xFFFFFFFF  }
0xc1: {  	_ =	task.clear_ibuf [dreg:s7], $0x2FFFF;
	_ =	strace $0x9FFFFFFF  }
0xc2: {  	(tm) =	ssettm $0x7FFFFFFF  }
0xc3: {  	_ =	shalt  }
tec
execute0_lowered:
.L_overlay_start_1:
0x0: {  	(tag) =	ssettag $0x1  }
0x1: {  	s1 =	srdreg.scid;
	s2 =	rddreg [dreg:$0x0]  }
0x2: {  	s0 =	stileid.u32;
	s3 =	rddreg [dreg:$0x1]  }
0x3: {  	s6 =	simm.s32 $0x1;
	s9 =	simm.s32 $0x1;
	s1 =	sshll.u32 s1, $0x8  }
0x4: {  	s10 =	simm.s32 $0x3;
	s4 =	sshll.u32 s0, $0x9;
	s5 =	sand.u32 $0x100, s1  }
0x5: {  	s13 =	simm.s32 $0x0;
	s12 =	simm.s32 $0x0;
	s4 =	sor.u32 s4, s5  }
0x6: {  	s1 =	rddreg [dreg:$0x2];
	_ =	strace $0x80000047;
	s8 =	ssub.s32 $0x3000, s4  }
.Ltmp0:
0x7: {  	s5 =	sadd.s32 $0x3200, s2;
	s7 =	sand.u32 $0x1F00, s8;
	(pc) =	sbr.rel .LBB2_1-.Ltmp0, $4  }
0x8: {  	[sflag:s6] =	ssyncpa.u1 $0x0;
	s11 =	smov.u32 s4;
	p0 =	sne.s32 s7, $0x0  }
0x9: {  	s8 =	sshrl.u32 s8, $0xD;
	s7 =	simm.s32 $0x2;
	s9 =	simm.s32 @!p0 $0x0  }
0xa: {  	[sflag:s7] =	ssyncpa.u1 $0x0;
	p0 =	por $0x0, $0x0;
	s8 =	sadd.s32 s9, s8  }
0xb: {  	vm0 =	vmmov $0xffff;
	[sflag:s10] =	ssyncpa.u1 $0x0;
	s10 =	simm.s32 $0x0;
	s9 =	sadd.s32 $0x1, s8  }
.LBB2_4:
0xc: {  	v2 =	vnsel vm1, $0x0, v2  }
0xd: {  	vm1 =	vgt.s32 v0, $0x0;
	v2 =	vmin.u32 v2, $0x4E1F  }
0xe: {  	v0 =	vnsel vm1, $0x0, v0  }
0xf: {  	v0 =	vmin.u32 v0, $0x4E1F  }
0x10: {  	[tilespmem:s15], [sflag:$0x1] =	stream.indirect_vreg.gather [hbm4b:s2+s10], $0x1, v1, vm0, $0x4038;
	[tilespmem:$0x400] =	vst v63  }
0x11: {  	(ifvalue) =	ssetifvalue $0x7FFFFFFF  }
0x12: {  	[tilespmem:s16], [sflag:$0x1] =	stream.indirect_vreg.gather [hbm4b:s2+s10], $0x1, v2, vm0, $0x4038;
	[tilespmem:$0x400] =	vst v63  }
0x13: {  	s29 =	sadd.s32 $0x10, s16;
	(ifvalue) =	ssetifvalue $0x7FFFFFFF  }
0x14: {  	[tilespmem:s29], [sflag:$0x1] =	stream.indirect_vreg.gather [hbm4b:s2+s10], $0x1, v0, vm0, $0x4038;
	[tilespmem:$0x400] =	vst v63  }
0x15: {  	_ =	swait.ge [sflag:s6], $0x100  }
0x16: {  	s30 =	sshrl.u32 s13, $0x3;
	[sflag:s6] =	ssyncset.done $0x0  }
0x17: {  	s31 =	sand.u32 $0x7, s13;
	s15 =	sadd.s32 s5, s30;
	[sflag:s6] =	ssyncadd.s32 $0xFFFFFF00  }
0x18: {  	[hbm4b:s15+s31] =	stream.linear.scatter [tilespmem:s14], [sflag:$0x3], $0x100, $0x38;
	[tilespmem:$0x400] =	vst v63  }
.LBB2_5:
0x19: {  	s15 =	sadd.s32 $0x2000, s11  }
0x1a: {  	p2 =	sgt.s32 s15, $0x2FFF  }
0x1b: {  	s15 =	smov.u32 @p2 s4;
	p2 =	sne.s32 s12, s9  }
.Ltmp1:
0x1c: {  	p1 =	slt.u32 s12, $0x2;
	(pc) =	sbr.rel @!p2 .LBB2_6-.Ltmp1, $4  }
0x1d: {  	s14 =	simm.s32 @!p1 $0x3  }
0x1e: {  	s16 =	sadd.s32 $0x1, s12;
	_ =	swait.ge @!p1 [sflag:s14], $0x100  }
0x1f: {  	s13 =	smov.u32 s11;
	p0 =	por !p0, !p0;
	[sflag:s14] =	ssyncset.done @!p1 $0x0  }
0x20: {  	s12 =	smov.u32 s16;
	s11 =	smov.u32 s15;
	[sflag:s14] =	ssyncadd.s32 @!p1 $0xFFFFFF00  }
.LBB2_1:
0x21: {  	p1 =	sge.u32 s12, s8  }
0x22: {  	s14 =	sxor.u32 @!p1 $0xFFFFFFFF, s12  }
0x23: {  	s31 =	sadd.s32 $0xFFFFFFFF, s12;
	s15 =	sshrl.u32 @!p1 s11, $0x3;
	s14 =	sshll.u32 @!p1 s14, $0x8  }
0x24: {  	s16 =	sand.u32 @!p1 $0x7, s11;
	s15 =	sadd.s32 @!p1 s3, s15;
	s14 =	sand.u32 @!p1 $0x100, s14  }
0x25: {  	[tilespmem:s14], [sflag:$0x2] =	stream.linear.gather @!p1 [hbm4b:s15+s16], $0x100, $0x38;
	[tilespmem:$0x400] =	vst v63  }
0x26: {  	p1 =	sge.u32 s31, s8  }
.Ltmp2:
0x27: {  	_ = 	snop;
	(pc) =	sbr.rel @p1 .LBB2_5-.Ltmp2, $1  }
0x28: {  	_ =	sdelay $0x3  }
0x29: {  	s14 =	simm.s32 $0x1  }
0x2a: {  	_ =	swait.ge [sflag:s7], $0x100;
	s14 =	simm.s32 @!p0 $0x0  }
0x2b: {  	[sflag:s7] =	ssyncset.done $0x0;
	s14 =	sshll.u32 s14, $0x8  }
0x2c: {  	[sflag:s7] =	ssyncadd.s32 $0xFFFFFF00;
	(ifvalue) =	ssetifvalue $0x7FFFFFFF;
	v0 =	vld.msk [tilespmem:s14+$0x0 ss:$0x1], $0xffff;
	_ =	sdelay $0x4  }
0x2d: {  	s15 =	sadd.s32 $0x10, s14;
	vm1 =	vgt.s32 v0, $0x0  }
0x2e: {  	v2 =	vld.msk [tilespmem:s15+$0x0 ss:$0x1], $0xffff;
	v1 =	vnsel vm1, $0x0, v0  }
0x2f: {  	v1 =	vmin.u32 v1, $0x4E1F;
	_ =	sdelay $0x1  }
0x30: {  	s16 =	sshll.u32 s12, $0x8;
	s18 =	simm.s32 $0x20  }
0x31: {  	s16 =	sand.u32 $0x100, s16;
	s17 =	sadd.s32 $0x10, s15;
	s15 =	sor.u32 $0x200, s14  }
0x32: {  	s14 =	sor.u32 $0x200, s16;
	s16 =	sadd.s32 $0x10, s15;
	v0 =	vld.msk [tilespmem:s17+$0x0 ss:$0x1], $0xffff;
	vm1 =	vgt.s32 v2, $0x0;
	(ifvalue) =	ssetifvalue $0x7FFFFFFF  }
.LBB2_3:
0x33: {  	[tilespmem:s15], [sflag:$0x1] =	stream.indirect_vreg.gather [hbm4b:s2+s10], $0x1, v1, vm0, $0x4038;
	[tilespmem:$0x400] =	vst v63  }
0x34: {  	s18 =	sadd.s32 $0x10, s18  }
0x35: {  	v2 =	vnsel vm1, $0x0, v2;
	p1 =	slt.u32 s18, $0xF0  }
.Ltmp3:
0x36: {  	s15 =	smov.u32 s16;
	v1 =	vmin.u32 v2, $0x4E1F;
	(pc) =	sbr.rel @p1 .LBB2_3-.Ltmp3, $3  }
0x37: {  	_ =	sdelay $0x1  }
0x38: {  	s17 =	sadd.s32 $0x10, s17  }
0x39: {  	vm1 =	vgt.s32 v0, $0x0;
	s16 =	sadd.s32 $0x10, s16;
	v2 =	vmov v0;
	(ifvalue) =	ssetifvalue $0x7FFFFFFF;
	v0 =	vld.msk [tilespmem:s17+$0x0 ss:$0x1], $0xffff  }
.Ltmp4:
0x3a: {  	_ = 	snop;
	(pc) =	sbr.rel .LBB2_4-.Ltmp4, $1  }
0x3b: {  	_ =	sdelay $0x3  }
.LBB2_6:
0x3c: {  	_ =	sfence.sel $0x180000  }
0x3d: {  	s2 =	simm.s32 $0x2;
	[bflag:$0x0] =	sbarrier.arrive $0xFFFF  }
0x3e: {  	s30 =	simm.s32 $0x3;
	[sflag:s2] =	ssyncpa.u1 $0x1  }
0x3f: {  	s31 =	simm.s32 $0x1;
	[sflag:s30] =	ssyncpa.u1 $0x1  }
0x40: {  	[sflag:s31] =	ssyncpa.u1 $0x1  }
0x41: {  	p0 =	sne.s32 s0, $0x0;
	_ =	strace $0x90000047  }
0x42: {  	s0 =	sadd.s32 @!p0 $0x100000, s1;
	[bflag:$0x2] =	sbarrier.arrive $0xFFFF  }
0x43: {  	[sflag:s0] =	ssyncadd.tile.s32 @!p0 $0x1;
	_ =	shalt  }
.Lfunc_end2:
_tile_overlayer_lowered:
.L_overlay_start_2:
0x44: {  	(tag) =	ssettag $0x2  }
0x45: {  	s0 =	rddreg [dreg:$0x0];
	s2 =	stileid.u32  }
0x46: {  	s1 =	rddreg [dreg:$0x1];
	p0 =	sne.s32 s2, $0x0  }
0x47: {  	s3 =	rddreg [dreg:$0x2];
	[bflag:$0x3] =	sbarrier.arrive $0xFFFF;
	s2 =	simm.s32 @!p0 $0x1C01  }
0x48: {  	[timem:s3], [sflag:s2] =	dma.local @!p0 [hbm:s0], s1  }
0x49: {  	s0 =	simm.s32 @!p0 $0x1  }
0x4a: {  	_ =	swait.ge @!p0 [sflag:s0], s1  }
0x4b: {  	s1 =	ssub.s32 @!p0 $0x0, s1;
	[sflag:s0] =	ssyncset.done @!p0 $0x0  }
0x4c: {  	[sflag:s0] =	ssyncadd.s32 @!p0 s1  }
0x4d: {  	[bflag:$0x3] =	sbarrier.arrive $0xFFFF  }
0x4e: {  	_ =	shalt  }

// kernel: kernel.4.cloned.1.call-start
scs
__scs_entry_jumppad:
0x0: {  	(pc) =	sbr.rel $0x88, $3  }
0x1: {  	(tag) =	ssettag $0x0;
	lr =	simm.s32 $0x1  }
0x2: {  	[smem:$0x3F9F] =	sst lr;
	_ =	strace $0xD0000000  }
0x3: {  	_ = 	snop  }
0x4: {  	_ = 	snop  }
0x5: {  	_ = 	snop  }
0x6: {  	_ = 	snop  }
0x7: {  	_ = 	snop  }
__scs_overlays_trampoline_lowered:
0x8: {  	[smem:$0x3FAE] =	sst s0  }
0x9: {  	[smem:$0x3FAF] =	sst s1  }
0xa: {  	[smem:$0x3FB0] =	sst s2  }
0xb: {  	[smem:$0x3FB1] =	sst s3  }
0xc: {  	[smem:$0x3FB2] =	sst s4  }
0xd: {  	[smem:$0x3FB3] =	sst s5  }
0xe: {  	[smem:$0x3FB4] =	sst s6  }
0xf: {  	[smem:$0x3FB5] =	sst s7  }
0x10: {  	[smem:$0x3FB6] =	sst s8  }
0x11: {  	[smem:$0x3FB7] =	sst s9;
	s0 =	simm.s32 @!p0 $0x0  }
0x12: {  	s1 =	sld [smem:$0x3F9D];
	s0 =	simm.s32 @p0 $0x1  }
0x13: {  	[smem:$0x3FB8] =	sst s0;
	s0 =	simm.s32 @!p1 $0x0  }
0x14: {  	s2 =	sld [smem:$0x3F9C];
	s0 =	simm.s32 @p1 $0x1  }
0x15: {  	[smem:$0x3FB9] =	sst s0;
	s0 =	simm.s32 @!p2 $0x0  }
0x16: {  	s3 =	sld [smem:$0x3FDB];
	s0 =	simm.s32 @p2 $0x1  }
0x17: {  	s4 =	simm.s32 $0x1BF5;
	[smem:$0x3FBB] =	sst s0  }
0x18: {  	s0 =	sld [smem:$0x3F9E];
	_ =	swait.ge [sflag:s4], $0x0  }
0x19: {  	s7 =	sld [smem:$0x3F9F]  }
0x1a: {  	s8 =	sadd.s32 $0xFFFFE003, lr  }
0x1b: {  	s9 =	sadd.s32 $0xFFFFFEF7, lr;
	s5 =	simm.s32 $0xFFFFFFFF;
	p2 =	slt.u32 s8, $0xFFFFF086  }
0x1c: {  	p1 =	slt.u32 s9, $0xF7A;
	s5 =	simm.s32 @!p2 $0x0  }
0x1d: {  	s5 =	simm.s32 @p1 $0x1;
	p0 =	seq.s32 s7, s2  }
0x1e: {  	s7 =	smul.u32 @!p0 $0xF7A, s2;
	p2 =	seq.s32 @!p0 s5, $0x0  }
0x1f: {  	s9 =	smul.u32 $0xF7A, s1;
	s8 =	simm.s32 @!p0 $0x1BF5;
	p2 =	por !p2, p0  }
0x20: {  	[sflag:s8] =	ssyncset.s32 @!p0 $0xFFFFF086;
	s6 =	sadd.s32 @!p0 s3, s7;
	s7 =	simm.s32 @!p0 $0x108  }
0x21: {  	s3 =	sadd.s32 s3, s9;
	s6 =	sadd.s32 @!p0 $0x88, s6;
	s7 =	simm.s32 @p2 $0x1082  }
0x22: {  	[simem:s7], [sflag:s8] =	dma.local @!p0 [hbm:s6], $0xF7A  }
0x23: {  	s9 =	sor.u32 $0xD0000000, s2;
	s6 =	simm.s32 $0x108;
	_ =	swait.ge @!p0 [sflag:s8], $0x0  }
0x24: {  	s3 =	sadd.s32 $0x88, s3;
	s6 =	simm.s32 @!p1 $0x1082;
	[sflag:s4] =	ssyncset.s32 $0xFFFFF086  }
0x25: {  	[simem:s6], [sflag:s4] =	dma.local [hbm:s3], $0xF7A  }
0x26: {  	[smem:$0x3F9F] =	sst s1;
	(tag) =	ssettag s2;
	_ =	strace s9  }
0x27: {  	s1 =	sld [smem:$0x3FAF]  }
0x28: {  	s2 =	sld [smem:$0x3FB0]  }
0x29: {  	s4 =	sld [smem:$0x3FB2]  }
0x2a: {  	p0 =	seq.s32 s5, $0x0;
	s5 =	sld [smem:$0x3FB3]  }
0x2b: {  	s6 =	sld [smem:$0x3FB4]  }
0x2c: {  	s7 =	sld [smem:$0x3FB5]  }
0x2d: {  	s3 =	simm.s32 $0x108;
	s8 =	sld [smem:$0x3FB6]  }
0x2e: {  	s3 =	simm.s32 @!p0 $0x1082;
	s9 =	sld [smem:$0x3FB7]  }
0x2f: {  	lr =	sadd.s32 s0, s3;
	s0 =	sld [smem:$0x3FAE]  }
0x30: {  	s3 =	sld [smem:$0x3FB1]  }
0x31: {  	[smem:$0x3FBA] =	sst s10  }
0x32: {  	s10 =	sld [smem:$0x3FB8];
	_ =	sdelay $0x3  }
0x33: {  	p0 =	seq.s32 s10, $0x1;
	s10 =	sld [smem:$0x3FBA];
	_ =	sdelay $0x3  }
0x34: {  	[smem:$0x3FBA] =	sst s10  }
0x35: {  	s10 =	sld [smem:$0x3FB9];
	_ =	sdelay $0x3  }
0x36: {  	p1 =	seq.s32 s10, $0x1;
	s10 =	sld [smem:$0x3FBA];
	_ =	sdelay $0x3  }
0x37: {  	[smem:$0x3FBA] =	sst s10  }
0x38: {  	s10 =	sld [smem:$0x3FBB]  }
0x39: {  	_ = 	snop;
	(pc) =	sbr.ind lr, $3  }
0x3a: {  	_ = 	snop  }
0x3b: {  	_ = 	snop  }
0x3c: {  	p2 =	seq.s32 s10, $0x1;
	s10 =	sld [smem:$0x3FBA]  }
0x3d: {  	_ =	shalt  }
0x3e: {  	_ =	shalt  }
0x3f: {  	_ =	shalt  }
0x40: {  	_ =	shalt  }
0x41: {  	_ =	shalt  }
0x42: {  	_ =	shalt  }
0x43: {  	_ =	shalt  }
0x44: {  	_ =	shalt  }
0x45: {  	_ =	shalt  }
0x46: {  	_ =	shalt  }
0x47: {  	_ =	shalt  }
0x48: {  	_ =	shalt  }
0x49: {  	_ =	shalt  }
0x4a: {  	_ =	shalt  }
0x4b: {  	_ =	shalt  }
0x4c: {  	_ =	shalt  }
0x4d: {  	_ =	shalt  }
0x4e: {  	_ =	shalt  }
0x4f: {  	_ =	shalt  }
0x50: {  	_ =	shalt  }
0x51: {  	_ =	shalt  }
0x52: {  	_ =	shalt  }
0x53: {  	_ =	shalt  }
0x54: {  	_ =	shalt  }
0x55: {  	_ =	shalt  }
0x56: {  	_ =	shalt  }
0x57: {  	_ =	shalt  }
0x58: {  	_ =	shalt  }
0x59: {  	_ =	shalt  }
0x5a: {  	_ =	shalt  }
0x5b: {  	_ =	shalt  }
0x5c: {  	_ =	shalt  }
0x5d: {  	_ =	shalt  }
0x5e: {  	_ =	shalt  }
0x5f: {  	_ =	shalt  }
0x60: {  	_ =	shalt  }
0x61: {  	_ =	shalt  }
0x62: {  	_ =	shalt  }
0x63: {  	_ =	shalt  }
0x64: {  	_ =	shalt  }
0x65: {  	_ =	shalt  }
0x66: {  	_ =	shalt  }
0x67: {  	_ =	shalt  }
0x68: {  	_ =	shalt  }
0x69: {  	_ =	shalt  }
0x6a: {  	_ =	shalt  }
0x6b: {  	_ =	shalt  }
0x6c: {  	_ =	shalt  }
0x6d: {  	_ =	shalt  }
0x6e: {  	_ =	shalt  }
0x6f: {  	_ =	shalt  }
0x70: {  	_ =	shalt  }
0x71: {  	_ =	shalt  }
0x72: {  	_ =	shalt  }
0x73: {  	_ =	shalt  }
0x74: {  	_ =	shalt  }
0x75: {  	_ =	shalt  }
0x76: {  	_ =	shalt  }
0x77: {  	_ =	shalt  }
0x78: {  	_ =	shalt  }
0x79: {  	_ =	shalt  }
0x7a: {  	_ =	shalt  }
0x7b: {  	_ =	shalt  }
0x7c: {  	_ =	shalt  }
0x7d: {  	_ =	shalt  }
0x7e: {  	_ =	shalt  }
0x7f: {  	_ =	shalt  }
0x80: {  	_ =	shalt  }
0x81: {  	_ =	shalt  }
0x82: {  	_ =	shalt  }
0x83: {  	_ =	shalt  }
0x84: {  	_ =	shalt  }
0x85: {  	_ =	shalt  }
0x86: {  	_ =	shalt  }
0x87: {  	_ =	shalt  }
.Lfunc_end0:
.L_simem_size_0:
called_computation.5_lowered:
.L_overlay_start_0:
0x88: {  	s2 =	sld [smem:$0x3FD9]  }
0x89: {  	s3 =	sld [smem:$0x3FFE];
	_ =	sdelay $0x1  }
0x8a: {  	s1 =	srdreg.scid  }
0x8b: {  	s0 =	sand.u32 $0x1, s1  }
0x8c: {  	s16 =	sshll.u32 s0, $0xA;
	s2 =	sadd.s32 s3, s2  }
0x8d: {  	s2 =	sadd.s32 s2, s16  }
0x8e: {  	[smem:$0x3FC6] =	sst s2  }
0x8f: {  	_ = 	snop  }
0x90: {  	(tm) =	ssettm $0x1  }
0x91: {  	s17 =	sld [smem:$0x3FFB];
	_ =	sdelay $0x3  }
0x92: {  	_ =	strace s17  }
0x93: {  	s2 =	sld [smem:$0x3FFC];
	_ =	sdelay $0x3  }
0x94: {  	_ =	strace s2  }
0x95: {  	s2 =	sld [smem:$0x3FFD];
	_ =	sdelay $0x3  }
0x96: {  	_ =	strace s2  }
0x97: {  	_ =	strace $0x8FFFFFFF  }
0x98: {  	s18 =	sld [smem:$0x3FDB];
	_ =	sdelay $0x1  }
0x99: {  	s19 =	simm.s32 $_scs_section_size  }
0x9a: {  	s4 =	simm.s32 $_size__tile_overlayer_lowered;
	s5 =	simm.s32 $_tile_overlayer_lowered  }
0x9b: {  	s22 =	simm.s32 $0x1BFF;
	s21 =	sshll.u32 s5, $0x1;
	s2 =	sadd.s32 s19, s18  }
0x9c: {  	s6 =	simm.s32 $0x0;
	s20 =	sshll.u32 s4, $0x1;
	s4 =	sadd.s32 s21, s2  }
0x9d: {  	[timem:s6], [sflag:s22] =	dma.local [hbm:s4], s20  }
0x9e: {  	_ =	swait.ge [sflag:s22], s20  }
0x9f: {  	s3 =	ssub.s32 $0x0, s20;
	[sflag:s22] =	ssyncset.done $0x0  }
0xa0: {  	[sflag:s22] =	ssyncadd.s32 s3;
	_ =	sdelay $0x1  }
0xa1: {  	s23 =	simm.s32 $0x1B8B  }
0xa2: {  	_ =	swait.ge [sflag:s23], $0x1  }
0xa3: {  	[sflag:s23] =	ssyncset.done $0x0  }
0xa4: {  	s25 =	simm.s32 $0x1B8E;
	s24 =	sld [smem:$0x3FFE];
	[sflag:s23] =	ssyncadd.s32 $0xFFFFFFFF  }
0xa5: {  	s26 =	simm.s32 $execute0_lowered;
	[smem:$0x3FD2] =	sst s25  }
0xa6: {  	s4 =	sshll.u32 s26, $0x1;
	_ =	strace $0x80000055;
	[dreg:$0x1] =	wrdreg $0xFFFFFFFF  }
0xa7: {  	s28 =	simm.s32 $_size_execute0_lowered;
	s2 =	sadd.s32 s2, s4;
	[dreg:$0x0] =	wrdreg $0x0  }
0xa8: {  	s4 =	sshll.u32 s28, $0x1;
	[dreg:$0x2] =	wrdreg s2  }
0xa9: {  	[dreg:$0x3] =	wrdreg s4  }
0xaa: {  	[dreg:$0x4] =	wrdreg $0xC0  }
0xab: {  	_ =	task [dreg:s6], $0x5FFFF  }
0xac: {  	[dreg:$0x1] =	wrdreg $0xFFFFFFFF  }
0xad: {  	[dreg:$0x0] =	wrdreg $0x60  }
0xae: {  	[dreg:$0x2] =	wrdreg s24  }
0xaf: {  	[dreg:$0x3] =	wrdreg $0x9  }
0xb0: {  	_ =	task.clear_ibuf [dreg:s6], $0x4FFFF;
	_ =	strace $0x90000055  }
0xb1: {  	s29 =	simm.s32 $0x9;
	_ =	strace $0x80000057  }
0xb2: {  	_ =	swait.ge [sflag:s29], $0x1  }
0xb3: {  	[sflag:s29] =	ssyncadd.s32 $0xFFFFFFFF  }
0xb4: {  	_ =	strace $0x90000057  }
0xb5: {  	_ =	sfence  }
0xb6: {  	s30 =	sld [smem:$0x0];
	_ =	sdelay $0x2  }
0xb7: {  	s31 =	sshll.u32 s1, $0xD;
	s1 =	sshrl.u32 s1, $0x2  }
0xb8: {  	s3 =	sand.u32 $0x4000, s31;
	s1 =	sadd.s32 s1, s30  }
0xb9: {  	s0 =	sor.u32 s3, s0;
	s1 =	sshll.u32 s1, $0x11  }
0xba: {  	s0 =	sor.u32 s1, s0  }
0xbb: {  	s0 =	sadd.s32 $0x8F2B, s0  }
0xbc: {  	[sflag:s0] =	ssyncadd.remote.s32 $0x1  }
0xbd: {  	_ =	sfence.sel $0xFFFF  }
0xbe: {  	[dreg:$0x0] =	wrdreg $0xFFFFFFFF;
	(pc) =	sbr.abs _section_cstart, $3  }
0xbf: {  	[dreg:$0x1] =	wrdreg $0xFFFFFFFF  }
0xc0: {  	_ =	task.clear_ibuf [dreg:s6], $0x2FFFF;
	_ =	strace $0x9FFFFFFF  }
0xc1: {  	(tm) =	ssettm $0x7FFFFFFF  }
tec
execute0_lowered:
.L_overlay_start_1:
0x0: {  	(tag) =	ssettag $0x1  }
0x1: {  	s1 =	srdreg.scid;
	s0 =	stileid.u32  }
0x2: {  	s5 =	sand.u32 $0x1, s1;
	s31 =	sshll.u32 s0, $0x1  }
0x3: {  	s7 =	rddreg [dreg:$0x0];
	s2 =	simm.s32 $0x0;
	s3 =	sor.u32 s5, s31  }
0x4: {  	[smem:$0x7FF] =	sst s2;
	s4 =	smul.u32 $0x30, s3  }
0x5: {  	s1 =	rddreg [dreg:$0x1];
	_ =	strace $0x80000056  }
0x6: {  	s8 =	ssub.s32 $0x2, s5;
	s6 =	smul.u32 $0x180, s3;
	s4 =	sadd.s32 s4, s7  }
0x7: {  	s9 =	sshrl.u32 s8, $0x1;
	s3 =	sadd.s32 $0xC00, s4;
	s4 =	simm.s32 $0x2  }
0x8: {  	[tilespmem:s2], [sflag:$0x2] =	stream.linear.gather [hbm4b:s3+s2], $0x180, $0x38;
	[tilespmem:$0xD80] =	vst v63  }
0x9: {  	s8 =	ssub.s32 s8, s9;
	_ =	swait.ge [sflag:s4], $0x180  }
0xa: {  	s6 =	sadd.s32 s6, s7;
	s9 =	smax.u32 s8, $0x1;
	[sflag:s4] =	ssyncset.done $0x0  }
0xb: {  	s5 =	sadd.s32 $0x1200, s6;
	s6 =	simm.s32 $0x180;
	[sflag:s4] =	ssyncadd.s32 $0xFFFFFE80  }
0xc: {  	[tilespmem:s6], [sflag:$0x2] =	stream.linear.gather [hbm4b:s5+s2], $0xC00, $0x38;
	[tilespmem:$0xD80] =	vst v63  }
0xd: {  	p0 =	sne.s32 s9, $0x1;
	_ =	swait.ge [sflag:s4], $0xC00  }
.Ltmp0:
0xe: {  	[sflag:s4] =	ssyncset.done $0x0;
	(pc) =	sbr.rel @!p0 .LBB2_2-.Ltmp0, $4  }
0xf: {  	s7 =	sadd.s32 $0x4200, s7;
	s8 =	simm.s32 $0x1;
	[sflag:s4] =	ssyncadd.s32 $0xFFFFF400  }
0x10: {  	[hbm4b:s7+s6] =	stream.indirect.scatter [tilespmem:s6], [sflag:$0x1], $0x8, s2, s6, $0xb8;
	[tilespmem:$0xD80] =	vst v63  }
0x11: {  	_ =	swait.ge [sflag:s8], $0xC00  }
0x12: {  	s9 =	sadd.s32 $0xFFFFFFFF, s9;
	[sflag:s8] =	ssyncset.done $0x0  }
.LBB2_1:
0x13: {  	p0 =	sne.s32 s9, $0x1;
	s9 =	sadd.s32 $0xFFFFFFFF, s9;
	[sflag:s8] =	ssyncadd.s32 $0xFFFFF400  }
0x14: {  	[tilespmem:s2], [sflag:$0x2] =	stream.linear.gather [hbm4b:s3+s2], $0x180, $0x38;
	[tilespmem:$0xD80] =	vst v63  }
0x15: {  	_ =	swait.ge [sflag:s4], $0x180  }
0x16: {  	[sflag:s4] =	ssyncset.done $0x0  }
0x17: {  	[sflag:s4] =	ssyncadd.s32 $0xFFFFFE80  }
0x18: {  	[tilespmem:s6], [sflag:$0x2] =	stream.linear.gather [hbm4b:s5+s2], $0xC00, $0x38;
	[tilespmem:$0xD80] =	vst v63  }
0x19: {  	_ =	swait.ge [sflag:s4], $0xC00  }
.Ltmp1:
0x1a: {  	[sflag:s4] =	ssyncset.done $0x0;
	(pc) =	sbr.rel @p0 .LBB2_1-.Ltmp1, $4  }
0x1b: {  	[sflag:s4] =	ssyncadd.s32 $0xFFFFF400  }
0x1c: {  	[hbm4b:s7+s6] =	stream.indirect.scatter [tilespmem:s6], [sflag:$0x1], $0x8, s2, s6, $0xb8;
	[tilespmem:$0xD80] =	vst v63  }
0x1d: {  	_ =	swait.ge [sflag:s8], $0xC00  }
0x1e: {  	[sflag:s8] =	ssyncset.done $0x0  }
.LBB2_2:
0x1f: {  	[sflag:s8] =	ssyncadd.s32 $0xFFFFF400  }
0x20: {  	_ =	sfence.sel $0x180000  }
0x21: {  	[bflag:$0x0] =	sbarrier.arrive $0xFFFF  }
0x22: {  	p0 =	sne.s32 s0, $0x0;
	_ =	strace $0x90000056  }
0x23: {  	s0 =	sadd.s32 @!p0 $0x100000, s1;
	[bflag:$0x2] =	sbarrier.arrive $0xFFFF  }
0x24: {  	[sflag:s0] =	ssyncadd.tile.s32 @!p0 $0x1;
	_ =	shalt  }
.Lfunc_end2:
_tile_overlayer_lowered:
.L_overlay_start_2:
0x25: {  	(tag) =	ssettag $0x2  }
0x26: {  	s0 =	rddreg [dreg:$0x0];
	s2 =	stileid.u32  }
0x27: {  	s1 =	rddreg [dreg:$0x1];
	p0 =	sne.s32 s2, $0x0  }
0x28: {  	s3 =	rddreg [dreg:$0x2];
	[bflag:$0x3] =	sbarrier.arrive $0xFFFF;
	s2 =	simm.s32 @!p0 $0x1C02  }
0x29: {  	[timem:s3], [sflag:s2] =	dma.local @!p0 [hbm:s0], s1  }
0x2a: {  	s0 =	simm.s32 @!p0 $0x2  }
0x2b: {  	_ =	swait.ge @!p0 [sflag:s0], s1  }
0x2c: {  	s1 =	ssub.s32 @!p0 $0x0, s1;
	[sflag:s0] =	ssyncset.done @!p0 $0x0  }
0x2d: {  	[sflag:s0] =	ssyncadd.s32 @!p0 s1  }
0x2e: {  	[bflag:$0x3] =	sbarrier.arrive $0xFFFF  }
0x2f: {  	_ =	shalt  }

</sc_bundles>
